<compile_context>
chip_gen: v7x
topology: tpu7x:2x2x1
jax: 0.10.2.dev20260603
libtpu: 0.0.44.dev20260713+nightly
codegen_flags: <defaults>
</compile_context>

<pallas_src>
import functools

import jax
import jax.numpy as jnp
from jax import lax
from jax.experimental import pallas as pl
from jax.experimental.pallas import tpu as pltpu
from jax.experimental.pallas import tpu_sc as plsc

_N = 16384
_S = 4096
_DP = 128



def _fps_body(px_ref, py_ref, pz_ref, pxs_ref, pys_ref, pzs_ref,
              idx_ref, dists_ref):
    lin = (lax.broadcasted_iota(jnp.int32, (128, 128), 0) * 128
           + lax.broadcasted_iota(jnp.int32, (128, 128), 1))
    lin32 = (lax.broadcasted_iota(jnp.int32, (32, 128), 0) * 128
             + lax.broadcasted_iota(jnp.int32, (32, 128), 1))

    lin_f = lin.astype(jnp.float32)
    bigf = jnp.float32(2.0 ** 30)

    qx0 = pxs_ref[0]
    qy0 = pys_ref[0]
    qz0 = pzs_ref[0]
    dx = px_ref[...] - qx0
    dy = py_ref[...] - qy0
    dz = pz_ref[...] - qz0
    d0 = (dx * dx + dz * dz) + dy * dy
    dists_ref[...] = d0
    idx_ref[...] = jnp.zeros((32, 128), jnp.int32)
    mv0 = jnp.max(d0, axis=0)
    il0 = jnp.min(jnp.where(d0 == mv0[None, :], lin_f, bigf), axis=0)
    m0 = jnp.max(mv0)

    def body(i, carry):
        m, mv, il = carry
        nxt = jnp.min(jnp.where(mv == m, il, bigf)).astype(jnp.int32)
        qx = pxs_ref[nxt]
        qy = pys_ref[nxt]
        qz = pzs_ref[nxt]
        dists = dists_ref[...]
        ddx = px_ref[...] - qx
        ddy = py_ref[...] - qy
        ddz = pz_ref[...] - qz
        d = (ddx * ddx + ddz * ddz) + ddy * ddy
        new = jnp.minimum(dists, d)
        dists_ref[...] = new
        idx_ref[...] = jnp.where(lin32 == i, nxt, idx_ref[...])
        mv2 = jnp.max(new, axis=0)
        il2 = jnp.min(jnp.where(new == mv2[None, :], lin_f, bigf), axis=0)
        m2 = jnp.max(mv2)
        return (m2, mv2, il2)

    lax.fori_loop(1, _S, body, (m0, mv0, il0), unroll=2)


_fps = pl.pallas_call(
    _fps_body,
    in_specs=[
        pl.BlockSpec((128, 128), lambda: (0, 0)),
        pl.BlockSpec((128, 128), lambda: (0, 0)),
        pl.BlockSpec((128, 128), lambda: (0, 0)),
        pl.BlockSpec(memory_space=pltpu.SMEM),
        pl.BlockSpec(memory_space=pltpu.SMEM),
        pl.BlockSpec(memory_space=pltpu.SMEM),
    ],
    out_shape=jax.ShapeDtypeStruct((32, 128), jnp.int32),
    scratch_shapes=[pltpu.VMEM((128, 128), jnp.float32)],
)



_QB = 512


def _knn_body(qf_ref, kt_ref, sqk_ref, nn_ref):
    qf = qf_ref[...]
    qb = qf.astype(jnp.bfloat16)
    kt = kt_ref[...]
    qk = lax.dot_general(qb, kt, (((1,), (0,)), ((), ())),
                         preferred_element_type=jnp.float32)
    x = qf[:, 0:1]
    y = qf[:, 1:2]
    z = qf[:, 2:3]
    sqq = (x * x + z * z) + y * y
    d2 = (sqq - 2.0 * qk) + sqk_ref[...]
    m = jnp.min(d2, axis=1, keepdims=True)
    lane = lax.broadcasted_iota(jnp.int32, (_QB, _S), 1)
    nn_ref[...] = jnp.min(jnp.where(d2 == m, lane, jnp.int32(2 ** 30)),
                          axis=1, keepdims=True)


_knn = pl.pallas_call(
    _knn_body,
    grid=(_N // _QB,),
    in_specs=[
        pl.BlockSpec((_QB, 16), lambda b: (b, 0)),
        pl.BlockSpec((16, _S), lambda b: (0, 0)),
        pl.BlockSpec((1, _S), lambda b: (0, 0)),
    ],
    out_specs=pl.BlockSpec((_QB, 1), lambda b: (b, 0)),
    out_shape=jax.ShapeDtypeStruct((_N, 1), jnp.int32),
)



_NC = 2
_NW = _NC * 16
_QPW = _N // _NW


def _gather_rows_body(table_ref, ind_ref, out_ref, ind_v, rows_v, sem):
    wid = lax.axis_index("s") * _NC + lax.axis_index("c")
    bpw = ind_v.shape[0]
    base = wid * bpw
    pltpu.sync_copy(ind_ref.at[pl.ds(base, bpw)], ind_v)
    pltpu.async_copy(table_ref.at[ind_v], rows_v, sem).wait()
    pltpu.sync_copy(rows_v, out_ref.at[pl.ds(base, bpw)])


@functools.lru_cache(maxsize=None)
def _make_gather(n_idx):
    bpw = n_idx // _NW
    return pl.kernel(
        _gather_rows_body,
        out_type=jax.ShapeDtypeStruct((n_idx, _DP), jnp.float32),
        mesh=plsc.VectorSubcoreMesh(core_axis_name="c", subcore_axis_name="s",
                                    num_cores=_NC, num_subcores=_NW // _NC),
        scratch_types=[
            pltpu.VMEM((bpw,), jnp.int32),
            pltpu.VMEM((bpw, _DP), jnp.float32),
            pltpu.SemaphoreType.DMA,
        ],
    )



def kernel(x, pos, batch):
    posT = pos.T
    px = posT[0].reshape(128, 128)
    py = posT[1].reshape(128, 128)
    pz = posT[2].reshape(128, 128)

    idx32 = _fps(px, py, pz, posT[0], posT[1], posT[2])
    idx = idx32.reshape(_S)

    table = jnp.concatenate(
        [x, pos, jnp.zeros((_N, _DP - 67), x.dtype)], axis=1)
    lr = _make_gather(_S)(table, idx)

    kx = lr[:, 64]
    ky = lr[:, 65]
    kz = lr[:, 66]
    sqk = ((kx * kx + kz * kz) + ky * ky)[None, :]
    kt = jnp.zeros((16, _S), jnp.bfloat16)
    kt = kt.at[0].set(kx.astype(jnp.bfloat16))
    kt = kt.at[1].set(ky.astype(jnp.bfloat16))
    kt = kt.at[2].set(kz.astype(jnp.bfloat16))
    qf = jnp.pad(pos, ((0, 0), (0, 13)))

    nn2 = _knn(qf, kt, sqk)
    nn = nn2.reshape(_N)
    interp = _make_gather(_N)(lr, nn)

    out_x = jnp.concatenate([x, pos, interp[:, :67]], axis=1)
    return (out_x, jnp.zeros((_N, 3), pos.dtype), batch)

# --- scband reference (transcript-rebuilt; emitter-appended) ---
"""Pipeline reference for scband-samodule-mrg-52879637348765 (READ-ONLY COPY).

The authoritative reference and input builder live on the scoring server;
editing this copy changes nothing except your own understanding.
"""

import jax, jax.numpy as jnp
import numpy as np

N = 16384
S = 4096
D = 64


def fps(pos, n_samples):
    # farthest point sampling over a single batch, deterministic start at index 0
    n = pos.shape[0]
    idx0 = jnp.zeros((n_samples,), dtype=jnp.int32)
    dists0 = jnp.sum((pos - pos[0]) ** 2, axis=1)

    def body(i, state):
        idx, dists = state
        nxt = jnp.argmax(dists).astype(jnp.int32)
        idx = idx.at[i].set(nxt)
        d = jnp.sum((pos - pos[nxt]) ** 2, axis=1)
        dists = jnp.minimum(dists, d)
        return (idx, dists)

    idx, _ = jax.lax.fori_loop(1, n_samples, body, (idx0, dists0))
    return idx


def nn1_indices(queries, keys):
    # 1-nearest-neighbor indices (k=1 knn_interpolate => weights collapse to 1)
    d2 = (jnp.sum(queries * queries, axis=1, keepdims=True)
          - 2.0 * (queries @ keys.T)
          + jnp.sum(keys * keys, axis=1)[None, :])
    return jnp.argmin(d2, axis=1)


def setup_inputs(seed: int = 0) -> dict:
    key = jax.random.key(seed)
    k1, k2 = jax.random.split(key)
    x = jax.random.normal(k1, (N, D), dtype=jnp.float32)
    pos = jax.random.normal(k2, (N, 3), dtype=jnp.float32)
    batch = jnp.zeros((N,), dtype=jnp.int32)
    return {"x": x, "pos": pos, "batch": batch}


def reference(x, pos, batch):
    # DownsampleMRG: fps with ratio S/N, then gather
    idx = fps(pos, S)
    x_lr = x[idx]
    pos_lr = pos[idx]
    batch_lr = batch[idx]
    # layers list is empty -> out_lr passes through unchanged
    # UpsampleMRG: concat features with positions, knn_interpolate(k=1), concat
    out_x = jnp.concatenate([x, pos], axis=1)
    lr_x = jnp.concatenate([x_lr, pos_lr], axis=1)
    nn = nn1_indices(pos, pos_lr)
    interp = lr_x[nn]
    out_x = jnp.concatenate([out_x, interp], axis=1)
    return (out_x, jnp.zeros((out_x.shape[0], 3), dtype=pos.dtype), batch)

if __name__ == "__main__":
    import jax
    _d = setup_inputs()
    print(jax.jit(kernel)(*tuple(_d.values())))

</pallas_src>

<mosaic_0001>
#map = affine_map<(d0, d1) -> (0, 0)>
#map1 = affine_map<(d0, d1) -> (0)>
module attributes {stable_mosaic.version = 14 : i64} {
  func.func @_gather_rows_body(%arg0: i32, %arg1: i32, %arg2: memref<16384x128xf32, #tpu.memory_space<hbm>>, %arg3: memref<4096xi32, #tpu.memory_space<hbm>>, %arg4: memref<4096x128xf32, #tpu.memory_space<hbm>>, %arg5: memref<128xi32, #tpu.memory_space<vmem>>, %arg6: memref<128x128xf32, #tpu.memory_space<vmem>>, %arg7: memref<!tpu.dma_semaphore, #tpu.memory_space<semaphore_mem>>) attributes {dimension_semantics = [#tpu.dimension_semantics<core_parallel>, #tpu.dimension_semantics<subcore_parallel>], iteration_bounds = array<i64: 2, 16>, scalar_prefetch = 0 : i64, scratch_operands = 3 : i64, tpu.core_type = #tpu.core_type<sc_vector_subcore>, window_params = [{transform_indices = #map}, {transform_indices = #map1}, {transform_indices = #map}]} {
    %mul3A = arith.constant 2 : i32
    %mul3A_0 = arith.muli %arg1, %mul3A : i32
    %add3A = arith.addi %mul3A_0, %arg0 : i32
    %mul3A_1 = arith.constant 128 : i32
    %mul3A_2 = arith.muli %add3A, %mul3A_1 : i32
    "tpu.region"() ({
      %run_scoped3A = tpu.sem_alloc : memref<!tpu.dma_semaphore, #tpu.memory_space<semaphore_mem>>
      %dma_start3A_7 = tpu.memref_slice %arg3[%mul3A_2] : memref<4096xi32, #tpu.memory_space<hbm>> -> memref<128xi32, #tpu.memory_space<hbm>>
      %dma_start3A_8 = tpu.memref_slice %arg3[%mul3A_2] : memref<4096xi32, #tpu.memory_space<hbm>> -> memref<128xi32, #tpu.memory_space<hbm>>
      tpu.enqueue_dma source(%dma_start3A_8 : memref<128xi32, #tpu.memory_space<hbm>>) target(%arg5 : memref<128xi32, #tpu.memory_space<vmem>>) target_semaphore(%run_scoped3A : memref<!tpu.dma_semaphore, #tpu.memory_space<semaphore_mem>>)
      %dma_wait3A_9 = tpu.memref_slice %arg3[%mul3A_2] : memref<4096xi32, #tpu.memory_space<hbm>> -> memref<128xi32, #tpu.memory_space<hbm>>
      %dma_wait3A_10 = tpu.memref_slice %arg3[%mul3A_2] : memref<4096xi32, #tpu.memory_space<hbm>> -> memref<128xi32, #tpu.memory_space<hbm>>
      tpu.wait_dma2 semaphore(%run_scoped3A : memref<!tpu.dma_semaphore, #tpu.memory_space<semaphore_mem>>) src(%dma_wait3A_10 : memref<128xi32, #tpu.memory_space<hbm>>) dst(%arg5 : memref<128xi32, #tpu.memory_space<vmem>>)
      tpu.yield
    }) : () -> ()
    %dma_start3A = arith.constant 0 : i32
    %dma_start3A_3 = arith.constant 0 : i32
    %dma_start3A_4 = tpu.memref_slice %arg2[%dma_start3A, %dma_start3A_3] : memref<16384x128xf32, #tpu.memory_space<hbm>> -> memref<16384x128xf32, #tpu.memory_space<hbm>>
    tpu.enqueue_indirect_dma source(%dma_start3A_4 : memref<16384x128xf32, #tpu.memory_space<hbm>>) target(%arg6 : memref<128x128xf32, #tpu.memory_space<vmem>>) offsets(%arg5 : memref<128xi32, #tpu.memory_space<vmem>>) semaphore(%arg7 : memref<!tpu.dma_semaphore, #tpu.memory_space<semaphore_mem>>)
    %dma_wait3A = arith.constant 0 : i32
    %dma_wait3A_5 = arith.constant 0 : i32
    %dma_wait3A_6 = tpu.memref_slice %arg2[%dma_wait3A, %dma_wait3A_5] : memref<16384x128xf32, #tpu.memory_space<hbm>> -> memref<16384x128xf32, #tpu.memory_space<hbm>>
    tpu.wait_indirect_dma semaphore(%arg7 : memref<!tpu.dma_semaphore, #tpu.memory_space<semaphore_mem>>) src(%dma_wait3A_6 : memref<16384x128xf32, #tpu.memory_space<hbm>>) dst(%arg6 : memref<128x128xf32, #tpu.memory_space<vmem>>)
    "tpu.region"() ({
      %run_scoped3A = tpu.sem_alloc : memref<!tpu.dma_semaphore, #tpu.memory_space<semaphore_mem>>
      %dma_start3A_7 = arith.constant 0 : i32
      %dma_start3A_8 = tpu.memref_slice %arg4[%mul3A_2, %dma_start3A_7] : memref<4096x128xf32, #tpu.memory_space<hbm>> -> memref<128x128xf32, #tpu.memory_space<hbm>>
      %dma_start3A_9 = arith.constant 0 : i32
      %dma_start3A_10 = tpu.memref_slice %arg4[%mul3A_2, %dma_start3A_9] : memref<4096x128xf32, #tpu.memory_space<hbm>> -> memref<128x128xf32, #tpu.memory_space<hbm>>
      tpu.enqueue_dma source(%arg6 : memref<128x128xf32, #tpu.memory_space<vmem>>) target(%dma_start3A_10 : memref<128x128xf32, #tpu.memory_space<hbm>>) target_semaphore(%run_scoped3A : memref<!tpu.dma_semaphore, #tpu.memory_space<semaphore_mem>>)
      %dma_wait3A_11 = arith.constant 0 : i32
      %dma_wait3A_12 = tpu.memref_slice %arg4[%mul3A_2, %dma_wait3A_11] : memref<4096x128xf32, #tpu.memory_space<hbm>> -> memref<128x128xf32, #tpu.memory_space<hbm>>
      %dma_wait3A_13 = arith.constant 0 : i32
      %dma_wait3A_14 = tpu.memref_slice %arg4[%mul3A_2, %dma_wait3A_13] : memref<4096x128xf32, #tpu.memory_space<hbm>> -> memref<128x128xf32, #tpu.memory_space<hbm>>
      tpu.wait_dma2 semaphore(%run_scoped3A : memref<!tpu.dma_semaphore, #tpu.memory_space<semaphore_mem>>) src(%arg6 : memref<128x128xf32, #tpu.memory_space<vmem>>) dst(%dma_wait3A_14 : memref<128x128xf32, #tpu.memory_space<hbm>>)
      tpu.yield
    }) : () -> ()
    return
  }
}

#map = affine_map<(d0, d1) -> (0, 0)>
#map1 = affine_map<(d0, d1) -> (0)>
module attributes {stable_mosaic.version = 14 : i64} {
  func.func @_gather_rows_body(%arg0: i32, %arg1: i32, %arg2: memref<4096x128xf32, #tpu.memory_space<hbm>>, %arg3: memref<16384xi32, #tpu.memory_space<hbm>>, %arg4: memref<16384x128xf32, #tpu.memory_space<hbm>>, %arg5: memref<512xi32, #tpu.memory_space<vmem>>, %arg6: memref<512x128xf32, #tpu.memory_space<vmem>>, %arg7: memref<!tpu.dma_semaphore, #tpu.memory_space<semaphore_mem>>) attributes {dimension_semantics = [#tpu.dimension_semantics<core_parallel>, #tpu.dimension_semantics<subcore_parallel>], iteration_bounds = array<i64: 2, 16>, scalar_prefetch = 0 : i64, scratch_operands = 3 : i64, tpu.core_type = #tpu.core_type<sc_vector_subcore>, window_params = [{transform_indices = #map}, {transform_indices = #map1}, {transform_indices = #map}]} {
    %mul3A = arith.constant 2 : i32
    %mul3A_0 = arith.muli %arg1, %mul3A : i32
    %add3A = arith.addi %mul3A_0, %arg0 : i32
    %mul3A_1 = arith.constant 512 : i32
    %mul3A_2 = arith.muli %add3A, %mul3A_1 : i32
    "tpu.region"() ({
      %run_scoped3A = tpu.sem_alloc : memref<!tpu.dma_semaphore, #tpu.memory_space<semaphore_mem>>
      %dma_start3A_7 = tpu.memref_slice %arg3[%mul3A_2] : memref<16384xi32, #tpu.memory_space<hbm>> -> memref<512xi32, #tpu.memory_space<hbm>>
      %dma_start3A_8 = tpu.memref_slice %arg3[%mul3A_2] : memref<16384xi32, #tpu.memory_space<hbm>> -> memref<512xi32, #tpu.memory_space<hbm>>
      tpu.enqueue_dma source(%dma_start3A_8 : memref<512xi32, #tpu.memory_space<hbm>>) target(%arg5 : memref<512xi32, #tpu.memory_space<vmem>>) target_semaphore(%run_scoped3A : memref<!tpu.dma_semaphore, #tpu.memory_space<semaphore_mem>>)
      %dma_wait3A_9 = tpu.memref_slice %arg3[%mul3A_2] : memref<16384xi32, #tpu.memory_space<hbm>> -> memref<512xi32, #tpu.memory_space<hbm>>
      %dma_wait3A_10 = tpu.memref_slice %arg3[%mul3A_2] : memref<16384xi32, #tpu.memory_space<hbm>> -> memref<512xi32, #tpu.memory_space<hbm>>
      tpu.wait_dma2 semaphore(%run_scoped3A : memref<!tpu.dma_semaphore, #tpu.memory_space<semaphore_mem>>) src(%dma_wait3A_10 : memref<512xi32, #tpu.memory_space<hbm>>) dst(%arg5 : memref<512xi32, #tpu.memory_space<vmem>>)
      tpu.yield
    }) : () -> ()
    %dma_start3A = arith.constant 0 : i32
    %dma_start3A_3 = arith.constant 0 : i32
    %dma_start3A_4 = tpu.memref_slice %arg2[%dma_start3A, %dma_start3A_3] : memref<4096x128xf32, #tpu.memory_space<hbm>> -> memref<4096x128xf32, #tpu.memory_space<hbm>>
    tpu.enqueue_indirect_dma source(%dma_start3A_4 : memref<4096x128xf32, #tpu.memory_space<hbm>>) target(%arg6 : memref<512x128xf32, #tpu.memory_space<vmem>>) offsets(%arg5 : memref<512xi32, #tpu.memory_space<vmem>>) semaphore(%arg7 : memref<!tpu.dma_semaphore, #tpu.memory_space<semaphore_mem>>)
    %dma_wait3A = arith.constant 0 : i32
    %dma_wait3A_5 = arith.constant 0 : i32
    %dma_wait3A_6 = tpu.memref_slice %arg2[%dma_wait3A, %dma_wait3A_5] : memref<4096x128xf32, #tpu.memory_space<hbm>> -> memref<4096x128xf32, #tpu.memory_space<hbm>>
    tpu.wait_indirect_dma semaphore(%arg7 : memref<!tpu.dma_semaphore, #tpu.memory_space<semaphore_mem>>) src(%dma_wait3A_6 : memref<4096x128xf32, #tpu.memory_space<hbm>>) dst(%arg6 : memref<512x128xf32, #tpu.memory_space<vmem>>)
    "tpu.region"() ({
      %run_scoped3A = tpu.sem_alloc : memref<!tpu.dma_semaphore, #tpu.memory_space<semaphore_mem>>
      %dma_start3A_7 = arith.constant 0 : i32
      %dma_start3A_8 = tpu.memref_slice %arg4[%mul3A_2, %dma_start3A_7] : memref<16384x128xf32, #tpu.memory_space<hbm>> -> memref<512x128xf32, #tpu.memory_space<hbm>>
      %dma_start3A_9 = arith.constant 0 : i32
      %dma_start3A_10 = tpu.memref_slice %arg4[%mul3A_2, %dma_start3A_9] : memref<16384x128xf32, #tpu.memory_space<hbm>> -> memref<512x128xf32, #tpu.memory_space<hbm>>
      tpu.enqueue_dma source(%arg6 : memref<512x128xf32, #tpu.memory_space<vmem>>) target(%dma_start3A_10 : memref<512x128xf32, #tpu.memory_space<hbm>>) target_semaphore(%run_scoped3A : memref<!tpu.dma_semaphore, #tpu.memory_space<semaphore_mem>>)
      %dma_wait3A_11 = arith.constant 0 : i32
      %dma_wait3A_12 = tpu.memref_slice %arg4[%mul3A_2, %dma_wait3A_11] : memref<16384x128xf32, #tpu.memory_space<hbm>> -> memref<512x128xf32, #tpu.memory_space<hbm>>
      %dma_wait3A_13 = arith.constant 0 : i32
      %dma_wait3A_14 = tpu.memref_slice %arg4[%mul3A_2, %dma_wait3A_13] : memref<16384x128xf32, #tpu.memory_space<hbm>> -> memref<512x128xf32, #tpu.memory_space<hbm>>
      tpu.wait_dma2 semaphore(%run_scoped3A : memref<!tpu.dma_semaphore, #tpu.memory_space<semaphore_mem>>) src(%arg6 : memref<512x128xf32, #tpu.memory_space<vmem>>) dst(%dma_wait3A_14 : memref<512x128xf32, #tpu.memory_space<hbm>>)
      tpu.yield
    }) : () -> ()
    return
  }
}

module attributes {stable_mosaic.version = 14 : i64} {
  func.func @_fps_body(%arg0: memref<128x128xf32, #tpu.memory_space<vmem>>, %arg1: memref<128x128xf32, #tpu.memory_space<vmem>>, %arg2: memref<128x128xf32, #tpu.memory_space<vmem>>, %arg3: memref<16384xf32, #tpu.memory_space<smem>>, %arg4: memref<16384xf32, #tpu.memory_space<smem>>, %arg5: memref<16384xf32, #tpu.memory_space<smem>>, %arg6: memref<32x128xi32, #tpu.memory_space<vmem>>, %arg7: memref<128x128xf32, #tpu.memory_space<vmem>>) attributes {dimension_semantics = [], scalar_prefetch = 0 : i64, scratch_operands = 1 : i64, tpu.core_type = #tpu.core_type<tc>} {
    %iota3A = tpu.iota {dimensions = array<i32: 0>} : vector<128x128xi32>
    %mul3A = arith.constant 128 : i32
    %mul3A_0 = vector.broadcast %mul3A : i32 to vector<128x128xi32>
    %mul3A_1 = arith.muli %iota3A, %mul3A_0 : vector<128x128xi32>
    %iota3A_2 = tpu.iota {dimensions = array<i32: 1>} : vector<128x128xi32>
    %add3A = arith.addi %mul3A_1, %iota3A_2 : vector<128x128xi32>
    %iota3A_3 = tpu.iota {dimensions = array<i32: 0>} : vector<32x128xi32>
    %mul3A_4 = arith.constant 128 : i32
    %mul3A_5 = vector.broadcast %mul3A_4 : i32 to vector<32x128xi32>
    %mul3A_6 = arith.muli %iota3A_3, %mul3A_5 : vector<32x128xi32>
    %iota3A_7 = tpu.iota {dimensions = array<i32: 1>} : vector<32x128xi32>
    %add3A_8 = arith.addi %mul3A_6, %iota3A_7 : vector<32x128xi32>
    %convert_element_type3A = arith.sitofp %add3A : vector<128x128xi32> to vector<128x128xf32>
    %get3A = arith.constant 0 : index
    %get3A_9 = memref.load %arg3[%get3A] : memref<16384xf32, #tpu.memory_space<smem>>
    %get3A_10 = arith.constant 0 : index
    %get3A_11 = memref.load %arg4[%get3A_10] : memref<16384xf32, #tpu.memory_space<smem>>
    %get3A_12 = arith.constant 0 : index
    %get3A_13 = memref.load %arg5[%get3A_12] : memref<16384xf32, #tpu.memory_space<smem>>
    %get3A_14 = arith.constant 0 : index
    %get3A_15 = arith.constant 0 : index
    %get3A_16 = vector.load %arg0[%get3A_14, %get3A_15] : memref<128x128xf32, #tpu.memory_space<vmem>>, vector<128x128xf32>
    %sub3A = vector.broadcast %get3A_9 : f32 to vector<128x128xf32>
    %sub3A_17 = arith.subf %get3A_16, %sub3A : vector<128x128xf32>
    %get3A_18 = arith.constant 0 : index
    %get3A_19 = arith.constant 0 : index
    %get3A_20 = vector.load %arg1[%get3A_18, %get3A_19] : memref<128x128xf32, #tpu.memory_space<vmem>>, vector<128x128xf32>
    %sub3A_21 = vector.broadcast %get3A_11 : f32 to vector<128x128xf32>
    %sub3A_22 = arith.subf %get3A_20, %sub3A_21 : vector<128x128xf32>
    %get3A_23 = arith.constant 0 : index
    %get3A_24 = arith.constant 0 : index
    %get3A_25 = vector.load %arg2[%get3A_23, %get3A_24] : memref<128x128xf32, #tpu.memory_space<vmem>>, vector<128x128xf32>
    %sub3A_26 = vector.broadcast %get3A_13 : f32 to vector<128x128xf32>
    %sub3A_27 = arith.subf %get3A_25, %sub3A_26 : vector<128x128xf32>
    %mul3A_28 = arith.mulf %sub3A_17, %sub3A_17 : vector<128x128xf32>
    %mul3A_29 = arith.mulf %sub3A_27, %sub3A_27 : vector<128x128xf32>
    %add3A_30 = arith.addf %mul3A_28, %mul3A_29 : vector<128x128xf32>
    %mul3A_31 = arith.mulf %sub3A_22, %sub3A_22 : vector<128x128xf32>
    %add3A_32 = arith.addf %add3A_30, %mul3A_31 : vector<128x128xf32>
    %swap3A = arith.constant 0 : index
    %swap3A_33 = arith.constant 0 : index
    %swap3A_34 = vector.load %arg7[%swap3A, %swap3A_33] : memref<128x128xf32, #tpu.memory_space<vmem>>, vector<128x128xf32>
    tpu.vector_store %arg7[%swap3A, %swap3A_33], %add3A_32 {strides = array<i32>} : memref<128x128xf32, #tpu.memory_space<vmem>>, vector<128x128xf32>,
    %broadcast_in_dim3A = arith.constant 0 : i32
    %broadcast_in_dim3A_35 = vector.broadcast %broadcast_in_dim3A : i32 to vector<32x128xi32>
    %swap3A_36 = arith.constant 0 : index
    %swap3A_37 = arith.constant 0 : index
    %swap3A_38 = vector.load %arg6[%swap3A_36, %swap3A_37] : memref<32x128xi32, #tpu.memory_space<vmem>>, vector<32x128xi32>
    tpu.vector_store %arg6[%swap3A_36, %swap3A_37], %broadcast_in_dim3A_35 {strides = array<i32>} : memref<32x128xi32, #tpu.memory_space<vmem>>, vector<32x128xi32>,
    %reduce_max3A = arith.constant dense<0xFF800000> : vector<128xf32>
    %reduce_max3A_39 = vector.multi_reduction <maximumf>, %add3A_32, %reduce_max3A [0] : vector<128x128xf32> to vector<128xf32>
    %broadcast_in_dim3A_40 = vector.shape_cast %reduce_max3A_39 : vector<128xf32> to vector<1x128xf32>
    %eq3A = vector.broadcast %broadcast_in_dim3A_40 : vector<1x128xf32> to vector<128x128xf32>
    %eq3A_41 = arith.cmpf oeq, %add3A_32, %eq3A : vector<128x128xf32>
    %jit3A = arith.constant 1.07374182E+9 : f32
    %broadcast_in_dim3A_42 = vector.broadcast %jit3A : f32 to vector<128x128xf32>
    %select_n3A = arith.select %eq3A_41, %convert_element_type3A, %broadcast_in_dim3A_42 : vector<128x128xi1>, vector<128x128xf32>
    %reduce_min3A = arith.constant dense<0x7F800000> : vector<128xf32>
    %reduce_min3A_43 = vector.multi_reduction <minimumf>, %select_n3A, %reduce_min3A [0] : vector<128x128xf32> to vector<128xf32>
    %reduce_max3A_44 = vector.shape_cast %reduce_max3A_39 : vector<128xf32> to vector<1x128xf32>
    %reduce_max3A_45 = arith.constant dense<0xFF800000> : vector<1xf32>
    %reduce_max3A_46 = vector.multi_reduction <maximumf>, %reduce_max3A_44, %reduce_max3A_45 [1] : vector<1x128xf32> to vector<1xf32>
    %reduce_max3A_47 = vector.shape_cast %reduce_max3A_46 : vector<1xf32> to vector<1x1xf32>
    %reduce_max3A_48 = vector.extract %reduce_max3A_47[0, 0] : f32 from vector<1x1xf32>
    %scan3A = arith.constant 1.07374182E+9 : f32
    %scan3A_49 = arith.constant 1 : i32
    %scan3A_50 = arith.constant 4094 : i32
    %scan3A_51 = arith.addi %scan3A_49, %scan3A_50 : i32
    %scan3A_52 = arith.constant 2 : i32
    %scan3A_53:3 = scf.for %scan3A_123 = %scan3A_49 to %scan3A_51 step %scan3A_52 iter_args(%scan3A_124 = %reduce_max3A_48, %scan3A_125 = %reduce_max3A_39, %scan3A_126 = %reduce_min3A_43) -> (f32, vector<128xf32>, vector<128xf32>)  : i32 {
      %eq3A_127 = vector.broadcast %scan3A_124 : f32 to vector<128xf32>
      %eq3A_128 = arith.cmpf oeq, %scan3A_125, %eq3A_127 : vector<128xf32>
      %broadcast_in_dim3A_129 = vector.broadcast %scan3A : f32 to vector<128xf32>
      %select_n3A_130 = arith.select %eq3A_128, %scan3A_126, %broadcast_in_dim3A_129 : vector<128xi1>, vector<128xf32>
      %reduce_min3A_131 = vector.shape_cast %select_n3A_130 : vector<128xf32> to vector<1x128xf32>
      %reduce_min3A_132 = arith.constant dense<0x7F800000> : vector<1xf32>
      %reduce_min3A_133 = vector.multi_reduction <minimumf>, %reduce_min3A_131, %reduce_min3A_132 [1] : vector<1x128xf32> to vector<1xf32>
      %reduce_min3A_134 = vector.shape_cast %reduce_min3A_133 : vector<1xf32> to vector<1x1xf32>
      %reduce_min3A_135 = vector.extract %reduce_min3A_134[0, 0] : f32 from vector<1x1xf32>
      %convert_element_type3A_136 = arith.fptosi %reduce_min3A_135 : f32 to i32
      %get3A_137 = arith.index_cast %convert_element_type3A_136 : i32 to index
      %get3A_138 = memref.load %arg3[%get3A_137] : memref<16384xf32, #tpu.memory_space<smem>>
      %get3A_139 = arith.index_cast %convert_element_type3A_136 : i32 to index
      %get3A_140 = memref.load %arg4[%get3A_139] : memref<16384xf32, #tpu.memory_space<smem>>
      %get3A_141 = arith.index_cast %convert_element_type3A_136 : i32 to index
      %get3A_142 = memref.load %arg5[%get3A_141] : memref<16384xf32, #tpu.memory_space<smem>>
      %get3A_143 = arith.constant 0 : index
      %get3A_144 = arith.constant 0 : index
      %get3A_145 = vector.load %arg7[%get3A_143, %get3A_144] : memref<128x128xf32, #tpu.memory_space<vmem>>, vector<128x128xf32>
      %get3A_146 = arith.constant 0 : index
      %get3A_147 = arith.constant 0 : index
      %get3A_148 = vector.load %arg0[%get3A_146, %get3A_147] : memref<128x128xf32, #tpu.memory_space<vmem>>, vector<128x128xf32>
      %sub3A_149 = vector.broadcast %get3A_138 : f32 to vector<128x128xf32>
      %sub3A_150 = arith.subf %get3A_148, %sub3A_149 : vector<128x128xf32>
      %get3A_151 = arith.constant 0 : index
      %get3A_152 = arith.constant 0 : index
      %get3A_153 = vector.load %arg1[%get3A_151, %get3A_152] : memref<128x128xf32, #tpu.memory_space<vmem>>, vector<128x128xf32>
      %sub3A_154 = vector.broadcast %get3A_140 : f32 to vector<128x128xf32>
      %sub3A_155 = arith.subf %get3A_153, %sub3A_154 : vector<128x128xf32>
      %get3A_156 = arith.constant 0 : index
      %get3A_157 = arith.constant 0 : index
      %get3A_158 = vector.load %arg2[%get3A_156, %get3A_157] : memref<128x128xf32, #tpu.memory_space<vmem>>, vector<128x128xf32>
      %sub3A_159 = vector.broadcast %get3A_142 : f32 to vector<128x128xf32>
      %sub3A_160 = arith.subf %get3A_158, %sub3A_159 : vector<128x128xf32>
      %mul3A_161 = arith.mulf %sub3A_150, %sub3A_150 : vector<128x128xf32>
      %mul3A_162 = arith.mulf %sub3A_160, %sub3A_160 : vector<128x128xf32>
      %add3A_163 = arith.addf %mul3A_161, %mul3A_162 : vector<128x128xf32>
      %mul3A_164 = arith.mulf %sub3A_155, %sub3A_155 : vector<128x128xf32>
      %add3A_165 = arith.addf %add3A_163, %mul3A_164 : vector<128x128xf32>
      %min3A_166 = arith.minimumf %get3A_145, %add3A_165 : vector<128x128xf32>
      %swap3A_167 = arith.constant 0 : index
      %swap3A_168 = arith.constant 0 : index
      %swap3A_169 = vector.load %arg7[%swap3A_167, %swap3A_168] : memref<128x128xf32, #tpu.memory_space<vmem>>, vector<128x128xf32>
      tpu.vector_store %arg7[%swap3A_167, %swap3A_168], %min3A_166 {strides = array<i32>} : memref<128x128xf32, #tpu.memory_space<vmem>>, vector<128x128xf32>,
      %eq3A_170 = vector.broadcast %scan3A_123 : i32 to vector<32x128xi32>
      %eq3A_171 = arith.cmpi eq, %add3A_8, %eq3A_170 : vector<32x128xi32>
      %get3A_172 = arith.constant 0 : index
      %get3A_173 = arith.constant 0 : index
      %get3A_174 = vector.load %arg6[%get3A_172, %get3A_173] : memref<32x128xi32, #tpu.memory_space<vmem>>, vector<32x128xi32>
      %broadcast_in_dim3A_175 = vector.broadcast %convert_element_type3A_136 : i32 to vector<32x128xi32>
      %select_n3A_176 = arith.select %eq3A_171, %broadcast_in_dim3A_175, %get3A_174 : vector<32x128xi1>, vector<32x128xi32>
      %swap3A_177 = arith.constant 0 : index
      %swap3A_178 = arith.constant 0 : index
      %swap3A_179 = vector.load %arg6[%swap3A_177, %swap3A_178] : memref<32x128xi32, #tpu.memory_space<vmem>>, vector<32x128xi32>
      tpu.vector_store %arg6[%swap3A_177, %swap3A_178], %select_n3A_176 {strides = array<i32>} : memref<32x128xi32, #tpu.memory_space<vmem>>, vector<32x128xi32>,
      %reduce_max3A_180 = arith.constant dense<0xFF800000> : vector<128xf32>
      %reduce_max3A_181 = vector.multi_reduction <maximumf>, %min3A_166, %reduce_max3A_180 [0] : vector<128x128xf32> to vector<128xf32>
      %broadcast_in_dim3A_182 = vector.shape_cast %reduce_max3A_181 : vector<128xf32> to vector<1x128xf32>
      %eq3A_183 = vector.broadcast %broadcast_in_dim3A_182 : vector<1x128xf32> to vector<128x128xf32>
      %eq3A_184 = arith.cmpf oeq, %min3A_166, %eq3A_183 : vector<128x128xf32>
      %broadcast_in_dim3A_185 = vector.broadcast %scan3A : f32 to vector<128x128xf32>
      %select_n3A_186 = arith.select %eq3A_184, %convert_element_type3A, %broadcast_in_dim3A_185 : vector<128x128xi1>, vector<128x128xf32>
      %reduce_min3A_187 = arith.constant dense<0x7F800000> : vector<128xf32>
      %reduce_min3A_188 = vector.multi_reduction <minimumf>, %select_n3A_186, %reduce_min3A_187 [0] : vector<128x128xf32> to vector<128xf32>
      %reduce_max3A_189 = vector.shape_cast %reduce_max3A_181 : vector<128xf32> to vector<1x128xf32>
      %reduce_max3A_190 = arith.constant dense<0xFF800000> : vector<1xf32>
      %reduce_max3A_191 = vector.multi_reduction <maximumf>, %reduce_max3A_189, %reduce_max3A_190 [1] : vector<1x128xf32> to vector<1xf32>
      %reduce_max3A_192 = vector.shape_cast %reduce_max3A_191 : vector<1xf32> to vector<1x1xf32>
      %reduce_max3A_193 = vector.extract %reduce_max3A_192[0, 0] : f32 from vector<1x1xf32>
      %scan3A_194 = arith.constant 1 : i32
      %scan3A_195 = arith.addi %scan3A_123, %scan3A_194 : i32
      %eq3A_196 = vector.broadcast %reduce_max3A_193 : f32 to vector<128xf32>
      %eq3A_197 = arith.cmpf oeq, %reduce_max3A_181, %eq3A_196 : vector<128xf32>
      %broadcast_in_dim3A_198 = vector.broadcast %scan3A : f32 to vector<128xf32>
      %select_n3A_199 = arith.select %eq3A_197, %reduce_min3A_188, %broadcast_in_dim3A_198 : vector<128xi1>, vector<128xf32>
      %reduce_min3A_200 = vector.shape_cast %select_n3A_199 : vector<128xf32> to vector<1x128xf32>
      %reduce_min3A_201 = arith.constant dense<0x7F800000> : vector<1xf32>
      %reduce_min3A_202 = vector.multi_reduction <minimumf>, %reduce_min3A_200, %reduce_min3A_201 [1] : vector<1x128xf32> to vector<1xf32>
      %reduce_min3A_203 = vector.shape_cast %reduce_min3A_202 : vector<1xf32> to vector<1x1xf32>
      %reduce_min3A_204 = vector.extract %reduce_min3A_203[0, 0] : f32 from vector<1x1xf32>
      %convert_element_type3A_205 = arith.fptosi %reduce_min3A_204 : f32 to i32
      %get3A_206 = arith.index_cast %convert_element_type3A_205 : i32 to index
      %get3A_207 = memref.load %arg3[%get3A_206] : memref<16384xf32, #tpu.memory_space<smem>>
      %get3A_208 = arith.index_cast %convert_element_type3A_205 : i32 to index
      %get3A_209 = memref.load %arg4[%get3A_208] : memref<16384xf32, #tpu.memory_space<smem>>
      %get3A_210 = arith.index_cast %convert_element_type3A_205 : i32 to index
      %get3A_211 = memref.load %arg5[%get3A_210] : memref<16384xf32, #tpu.memory_space<smem>>
      %get3A_212 = arith.constant 0 : index
      %get3A_213 = arith.constant 0 : index
      %get3A_214 = vector.load %arg7[%get3A_212, %get3A_213] : memref<128x128xf32, #tpu.memory_space<vmem>>, vector<128x128xf32>
      %get3A_215 = arith.constant 0 : index
      %get3A_216 = arith.constant 0 : index
      %get3A_217 = vector.load %arg0[%get3A_215, %get3A_216] : memref<128x128xf32, #tpu.memory_space<vmem>>, vector<128x128xf32>
      %sub3A_218 = vector.broadcast %get3A_207 : f32 to vector<128x128xf32>
      %sub3A_219 = arith.subf %get3A_217, %sub3A_218 : vector<128x128xf32>
      %get3A_220 = arith.constant 0 : index
      %get3A_221 = arith.constant 0 : index
      %get3A_222 = vector.load %arg1[%get3A_220, %get3A_221] : memref<128x128xf32, #tpu.memory_space<vmem>>, vector<128x128xf32>
      %sub3A_223 = vector.broadcast %get3A_209 : f32 to vector<128x128xf32>
      %sub3A_224 = arith.subf %get3A_222, %sub3A_223 : vector<128x128xf32>
      %get3A_225 = arith.constant 0 : index
      %get3A_226 = arith.constant 0 : index
      %get3A_227 = vector.load %arg2[%get3A_225, %get3A_226] : memref<128x128xf32, #tpu.memory_space<vmem>>, vector<128x128xf32>
      %sub3A_228 = vector.broadcast %get3A_211 : f32 to vector<128x128xf32>
      %sub3A_229 = arith.subf %get3A_227, %sub3A_228 : vector<128x128xf32>
      %mul3A_230 = arith.mulf %sub3A_219, %sub3A_219 : vector<128x128xf32>
      %mul3A_231 = arith.mulf %sub3A_229, %sub3A_229 : vector<128x128xf32>
      %add3A_232 = arith.addf %mul3A_230, %mul3A_231 : vector<128x128xf32>
      %mul3A_233 = arith.mulf %sub3A_224, %sub3A_224 : vector<128x128xf32>
      %add3A_234 = arith.addf %add3A_232, %mul3A_233 : vector<128x128xf32>
      %min3A_235 = arith.minimumf %get3A_214, %add3A_234 : vector<128x128xf32>
      %swap3A_236 = arith.constant 0 : index
      %swap3A_237 = arith.constant 0 : index
      %swap3A_238 = vector.load %arg7[%swap3A_236, %swap3A_237] : memref<128x128xf32, #tpu.memory_space<vmem>>, vector<128x128xf32>
      tpu.vector_store %arg7[%swap3A_236, %swap3A_237], %min3A_235 {strides = array<i32>} : memref<128x128xf32, #tpu.memory_space<vmem>>, vector<128x128xf32>,
      %eq3A_239 = vector.broadcast %scan3A_195 : i32 to vector<32x128xi32>
      %eq3A_240 = arith.cmpi eq, %add3A_8, %eq3A_239 : vector<32x128xi32>
      %get3A_241 = arith.constant 0 : index
      %get3A_242 = arith.constant 0 : index
      %get3A_243 = vector.load %arg6[%get3A_241, %get3A_242] : memref<32x128xi32, #tpu.memory_space<vmem>>, vector<32x128xi32>
      %broadcast_in_dim3A_244 = vector.broadcast %convert_element_type3A_205 : i32 to vector<32x128xi32>
      %select_n3A_245 = arith.select %eq3A_240, %broadcast_in_dim3A_244, %get3A_243 : vector<32x128xi1>, vector<32x128xi32>
      %swap3A_246 = arith.constant 0 : index
      %swap3A_247 = arith.constant 0 : index
      %swap3A_248 = vector.load %arg6[%swap3A_246, %swap3A_247] : memref<32x128xi32, #tpu.memory_space<vmem>>, vector<32x128xi32>
      tpu.vector_store %arg6[%swap3A_246, %swap3A_247], %select_n3A_245 {strides = array<i32>} : memref<32x128xi32, #tpu.memory_space<vmem>>, vector<32x128xi32>,
      %reduce_max3A_249 = arith.constant dense<0xFF800000> : vector<128xf32>
      %reduce_max3A_250 = vector.multi_reduction <maximumf>, %min3A_235, %reduce_max3A_249 [0] : vector<128x128xf32> to vector<128xf32>
      %broadcast_in_dim3A_251 = vector.shape_cast %reduce_max3A_250 : vector<128xf32> to vector<1x128xf32>
      %eq3A_252 = vector.broadcast %broadcast_in_dim3A_251 : vector<1x128xf32> to vector<128x128xf32>
      %eq3A_253 = arith.cmpf oeq, %min3A_235, %eq3A_252 : vector<128x128xf32>
      %broadcast_in_dim3A_254 = vector.broadcast %scan3A : f32 to vector<128x128xf32>
      %select_n3A_255 = arith.select %eq3A_253, %convert_element_type3A, %broadcast_in_dim3A_254 : vector<128x128xi1>, vector<128x128xf32>
      %reduce_min3A_256 = arith.constant dense<0x7F800000> : vector<128xf32>
      %reduce_min3A_257 = vector.multi_reduction <minimumf>, %select_n3A_255, %reduce_min3A_256 [0] : vector<128x128xf32> to vector<128xf32>
      %reduce_max3A_258 = vector.shape_cast %reduce_max3A_250 : vector<128xf32> to vector<1x128xf32>
      %reduce_max3A_259 = arith.constant dense<0xFF800000> : vector<1xf32>
      %reduce_max3A_260 = vector.multi_reduction <maximumf>, %reduce_max3A_258, %reduce_max3A_259 [1] : vector<1x128xf32> to vector<1xf32>
      %reduce_max3A_261 = vector.shape_cast %reduce_max3A_260 : vector<1xf32> to vector<1x1xf32>
      %reduce_max3A_262 = vector.extract %reduce_max3A_261[0, 0] : f32 from vector<1x1xf32>
      scf.yield %reduce_max3A_262, %reduce_max3A_250, %reduce_min3A_257 : f32, vector<128xf32>, vector<128xf32>
    }
    %scan3A_54 = arith.constant 4094 : i32
    %scan3A_55 = arith.addi %scan3A_49, %scan3A_54 : i32
    %eq3A_56 = vector.broadcast %scan3A_53#0 : f32 to vector<128xf32>
    %eq3A_57 = arith.cmpf oeq, %scan3A_53#1, %eq3A_56 : vector<128xf32>
    %broadcast_in_dim3A_58 = vector.broadcast %scan3A : f32 to vector<128xf32>
    %select_n3A_59 = arith.select %eq3A_57, %scan3A_53#2, %broadcast_in_dim3A_58 : vector<128xi1>, vector<128xf32>
    %reduce_min3A_60 = vector.shape_cast %select_n3A_59 : vector<128xf32> to vector<1x128xf32>
    %reduce_min3A_61 = arith.constant dense<0x7F800000> : vector<1xf32>
    %reduce_min3A_62 = vector.multi_reduction <minimumf>, %reduce_min3A_60, %reduce_min3A_61 [1] : vector<1x128xf32> to vector<1xf32>
    %reduce_min3A_63 = vector.shape_cast %reduce_min3A_62 : vector<1xf32> to vector<1x1xf32>
    %reduce_min3A_64 = vector.extract %reduce_min3A_63[0, 0] : f32 from vector<1x1xf32>
    %convert_element_type3A_65 = arith.fptosi %reduce_min3A_64 : f32 to i32
    %get3A_66 = arith.index_cast %convert_element_type3A_65 : i32 to index
    %get3A_67 = memref.load %arg3[%get3A_66] : memref<16384xf32, #tpu.memory_space<smem>>
    %get3A_68 = arith.index_cast %convert_element_type3A_65 : i32 to index
    %get3A_69 = memref.load %arg4[%get3A_68] : memref<16384xf32, #tpu.memory_space<smem>>
    %get3A_70 = arith.index_cast %convert_element_type3A_65 : i32 to index
    %get3A_71 = memref.load %arg5[%get3A_70] : memref<16384xf32, #tpu.memory_space<smem>>
    %get3A_72 = arith.constant 0 : index
    %get3A_73 = arith.constant 0 : index
    %get3A_74 = vector.load %arg7[%get3A_72, %get3A_73] : memref<128x128xf32, #tpu.memory_space<vmem>>, vector<128x128xf32>
    %get3A_75 = arith.constant 0 : index
    %get3A_76 = arith.constant 0 : index
    %get3A_77 = vector.load %arg0[%get3A_75, %get3A_76] : memref<128x128xf32, #tpu.memory_space<vmem>>, vector<128x128xf32>
    %sub3A_78 = vector.broadcast %get3A_67 : f32 to vector<128x128xf32>
    %sub3A_79 = arith.subf %get3A_77, %sub3A_78 : vector<128x128xf32>
    %get3A_80 = arith.constant 0 : index
    %get3A_81 = arith.constant 0 : index
    %get3A_82 = vector.load %arg1[%get3A_80, %get3A_81] : memref<128x128xf32, #tpu.memory_space<vmem>>, vector<128x128xf32>
    %sub3A_83 = vector.broadcast %get3A_69 : f32 to vector<128x128xf32>
    %sub3A_84 = arith.subf %get3A_82, %sub3A_83 : vector<128x128xf32>
    %get3A_85 = arith.constant 0 : index
    %get3A_86 = arith.constant 0 : index
    %get3A_87 = vector.load %arg2[%get3A_85, %get3A_86] : memref<128x128xf32, #tpu.memory_space<vmem>>, vector<128x128xf32>
    %sub3A_88 = vector.broadcast %get3A_71 : f32 to vector<128x128xf32>
    %sub3A_89 = arith.subf %get3A_87, %sub3A_88 : vector<128x128xf32>
    %mul3A_90 = arith.mulf %sub3A_79, %sub3A_79 : vector<128x128xf32>
    %mul3A_91 = arith.mulf %sub3A_89, %sub3A_89 : vector<128x128xf32>
    %add3A_92 = arith.addf %mul3A_90, %mul3A_91 : vector<128x128xf32>
    %mul3A_93 = arith.mulf %sub3A_84, %sub3A_84 : vector<128x128xf32>
    %add3A_94 = arith.addf %add3A_92, %mul3A_93 : vector<128x128xf32>
    %min3A = arith.minimumf %get3A_74, %add3A_94 : vector<128x128xf32>
    %swap3A_95 = arith.constant 0 : index
    %swap3A_96 = arith.constant 0 : index
    %swap3A_97 = vector.load %arg7[%swap3A_95, %swap3A_96] : memref<128x128xf32, #tpu.memory_space<vmem>>, vector<128x128xf32>
    tpu.vector_store %arg7[%swap3A_95, %swap3A_96], %min3A {strides = array<i32>} : memref<128x128xf32, #tpu.memory_space<vmem>>, vector<128x128xf32>,
    %eq3A_98 = vector.broadcast %scan3A_55 : i32 to vector<32x128xi32>
    %eq3A_99 = arith.cmpi eq, %add3A_8, %eq3A_98 : vector<32x128xi32>
    %get3A_100 = arith.constant 0 : index
    %get3A_101 = arith.constant 0 : index
    %get3A_102 = vector.load %arg6[%get3A_100, %get3A_101] : memref<32x128xi32, #tpu.memory_space<vmem>>, vector<32x128xi32>
    %broadcast_in_dim3A_103 = vector.broadcast %convert_element_type3A_65 : i32 to vector<32x128xi32>
    %select_n3A_104 = arith.select %eq3A_99, %broadcast_in_dim3A_103, %get3A_102 : vector<32x128xi1>, vector<32x128xi32>
    %swap3A_105 = arith.constant 0 : index
    %swap3A_106 = arith.constant 0 : index
    %swap3A_107 = vector.load %arg6[%swap3A_105, %swap3A_106] : memref<32x128xi32, #tpu.memory_space<vmem>>, vector<32x128xi32>
    tpu.vector_store %arg6[%swap3A_105, %swap3A_106], %select_n3A_104 {strides = array<i32>} : memref<32x128xi32, #tpu.memory_space<vmem>>, vector<32x128xi32>,
    %reduce_max3A_108 = arith.constant dense<0xFF800000> : vector<128xf32>
    %reduce_max3A_109 = vector.multi_reduction <maximumf>, %min3A, %reduce_max3A_108 [0] : vector<128x128xf32> to vector<128xf32>
    %broadcast_in_dim3A_110 = vector.shape_cast %reduce_max3A_109 : vector<128xf32> to vector<1x128xf32>
    %eq3A_111 = vector.broadcast %broadcast_in_dim3A_110 : vector<1x128xf32> to vector<128x128xf32>
    %eq3A_112 = arith.cmpf oeq, %min3A, %eq3A_111 : vector<128x128xf32>
    %broadcast_in_dim3A_113 = vector.broadcast %scan3A : f32 to vector<128x128xf32>
    %select_n3A_114 = arith.select %eq3A_112, %convert_element_type3A, %broadcast_in_dim3A_113 : vector<128x128xi1>, vector<128x128xf32>
    %reduce_min3A_115 = arith.constant dense<0x7F800000> : vector<128xf32>
    %reduce_min3A_116 = vector.multi_reduction <minimumf>, %select_n3A_114, %reduce_min3A_115 [0] : vector<128x128xf32> to vector<128xf32>
    %reduce_max3A_117 = vector.shape_cast %reduce_max3A_109 : vector<128xf32> to vector<1x128xf32>
    %reduce_max3A_118 = arith.constant dense<0xFF800000> : vector<1xf32>
    %reduce_max3A_119 = vector.multi_reduction <maximumf>, %reduce_max3A_117, %reduce_max3A_118 [1] : vector<1x128xf32> to vector<1xf32>
    %reduce_max3A_120 = vector.shape_cast %reduce_max3A_119 : vector<1xf32> to vector<1x1xf32>
    %reduce_max3A_121 = vector.extract %reduce_max3A_120[0, 0] : f32 from vector<1x1xf32>
    %scan3A_122 = arith.constant 4095 : i32
    return
  }
}

module attributes {stable_mosaic.version = 14 : i64} {
  func.func @_knn_body(%arg0: i32, %arg1: memref<512x16xf32, #tpu.memory_space<vmem>>, %arg2: memref<16x4096xbf16, #tpu.memory_space<vmem>>, %arg3: memref<1x4096xf32, #tpu.memory_space<vmem>>, %arg4: memref<512x1xi32, #tpu.memory_space<vmem>>) attributes {dimension_semantics = [#tpu.dimension_semantics<arbitrary>], iteration_bounds = array<i64: 32>, scalar_prefetch = 0 : i64, scratch_operands = 0 : i64, tpu.core_type = #tpu.core_type<tc>, window_params = [{transform_indices = @transform_0, window_bounds = array<i64: 512, 16>}, {pipeline_mode = #tpu.pipeline_mode<synchronous>, transform_indices = @transform_1, window_bounds = array<i64: 16, 4096>}, {pipeline_mode = #tpu.pipeline_mode<synchronous>, transform_indices = @transform_2, window_bounds = array<i64: 1, 4096>}, {transform_indices = @transform_3, window_bounds = array<i64: 512, 1>}]} {
    %get3A = arith.constant 0 : index
    %get3A_0 = arith.constant 0 : index
    %get3A_1 = vector.load %arg1[%get3A, %get3A_0] : memref<512x16xf32, #tpu.memory_space<vmem>>, vector<512x16xf32>
    %convert_element_type3A = arith.truncf %get3A_1 : vector<512x16xf32> to vector<512x16xbf16>
    %get3A_2 = arith.constant 0 : index
    %get3A_3 = arith.constant 0 : index
    %get3A_4 = vector.load %arg2[%get3A_2, %get3A_3] : memref<16x4096xbf16, #tpu.memory_space<vmem>>, vector<16x4096xbf16>
    %dot_general3A = arith.constant dense<0.000000e+00> : vector<512x4096xf32>
    %dot_general3A_5 = tpu.matmul %convert_element_type3A, %get3A_4, %dot_general3A {dimension_numbers = #tpu.dot_dimension_numbers<[1], [0], [0], [1], [0, 0, 1, 1], [], []>, transpose_lhs_hint = false} : vector<512x16xbf16>, vector<16x4096xbf16>, vector<512x4096xf32> -> vector<512x4096xf32>
    %slice3A = vector.extract_strided_slice %get3A_1 {offsets = [0, 0], sizes = [512, 1], strides = [1, 1]} : vector<512x16xf32> to vector<512x1xf32>
    %slice3A_6 = vector.extract_strided_slice %get3A_1 {offsets = [0, 1], sizes = [512, 1], strides = [1, 1]} : vector<512x16xf32> to vector<512x1xf32>
    %slice3A_7 = vector.extract_strided_slice %get3A_1 {offsets = [0, 2], sizes = [512, 1], strides = [1, 1]} : vector<512x16xf32> to vector<512x1xf32>
    %mul3A = arith.mulf %slice3A, %slice3A : vector<512x1xf32>
    %mul3A_8 = arith.mulf %slice3A_7, %slice3A_7 : vector<512x1xf32>
    %add3A = arith.addf %mul3A, %mul3A_8 : vector<512x1xf32>
    %mul3A_9 = arith.mulf %slice3A_6, %slice3A_6 : vector<512x1xf32>
    %add3A_10 = arith.addf %add3A, %mul3A_9 : vector<512x1xf32>
    %mul3A_11 = arith.constant 2.000000e+00 : f32
    %mul3A_12 = vector.broadcast %mul3A_11 : f32 to vector<512x4096xf32>
    %mul3A_13 = arith.mulf %mul3A_12, %dot_general3A_5 : vector<512x4096xf32>
    %sub3A = vector.broadcast %add3A_10 : vector<512x1xf32> to vector<512x4096xf32>
    %sub3A_14 = arith.subf %sub3A, %mul3A_13 : vector<512x4096xf32>
    %get3A_15 = arith.constant 0 : index
    %get3A_16 = arith.constant 0 : index
    %get3A_17 = vector.load %arg3[%get3A_15, %get3A_16] : memref<1x4096xf32, #tpu.memory_space<vmem>>, vector<1x4096xf32>
    %add3A_18 = vector.broadcast %get3A_17 : vector<1x4096xf32> to vector<512x4096xf32>
    %add3A_19 = arith.addf %sub3A_14, %add3A_18 : vector<512x4096xf32>
    %reduce_min3A = arith.constant dense<0x7F800000> : vector<512xf32>
    %reduce_min3A_20 = vector.multi_reduction <minimumf>, %add3A_19, %reduce_min3A [1] : vector<512x4096xf32> to vector<512xf32>
    %broadcast_in_dim3A = vector.shape_cast %reduce_min3A_20 : vector<512xf32> to vector<512x1xf32>
    %iota3A = tpu.iota {dimensions = array<i32: 1>} : vector<512x4096xi32>
    %eq3A = vector.broadcast %broadcast_in_dim3A : vector<512x1xf32> to vector<512x4096xf32>
    %eq3A_21 = arith.cmpf oeq, %add3A_19, %eq3A : vector<512x4096xf32>
    %jit3A = arith.constant 1073741824 : i32
    %broadcast_in_dim3A_22 = vector.broadcast %jit3A : i32 to vector<512x4096xi32>
    %select_n3A = arith.select %eq3A_21, %iota3A, %broadcast_in_dim3A_22 : vector<512x4096xi1>, vector<512x4096xi32>
    %reduce_min3A_23 = arith.constant dense<2147483647> : vector<512xi32>
    %reduce_min3A_24 = vector.multi_reduction <minsi>, %select_n3A, %reduce_min3A_23 [1] : vector<512x4096xi32> to vector<512xi32>
    %broadcast_in_dim3A_25 = vector.shape_cast %reduce_min3A_24 : vector<512xi32> to vector<512x1xi32>
    %swap3A = arith.constant 0 : index
    %swap3A_26 = arith.constant 0 : index
    %swap3A_27 = vector.load %arg4[%swap3A, %swap3A_26] : memref<512x1xi32, #tpu.memory_space<vmem>>, vector<512x1xi32>
    tpu.vector_store %arg4[%swap3A, %swap3A_26], %broadcast_in_dim3A_25 {strides = array<i32>} : memref<512x1xi32, #tpu.memory_space<vmem>>, vector<512x1xi32>,
    return
  }
  func.func @transform_0(%arg0: i32) -> (i32, i32) {
    %c0_i32 = arith.constant 0 : i32
    %c0_i32_0 = arith.constant 0 : i32
    return %arg0, %c0_i32 : i32, i32
  }
  func.func @transform_1(%arg0: i32) -> (i32, i32) {
    %c0_i32 = arith.constant 0 : i32
    %c0_i32_0 = arith.constant 0 : i32
    %c0_i32_1 = arith.constant 0 : i32
    return %c0_i32, %c0_i32_0 : i32, i32
  }
  func.func @transform_2(%arg0: i32) -> (i32, i32) {
    %c0_i32 = arith.constant 0 : i32
    %c0_i32_0 = arith.constant 0 : i32
    %c0_i32_1 = arith.constant 0 : i32
    return %c0_i32, %c0_i32_0 : i32, i32
  }
  func.func @transform_3(%arg0: i32) -> (i32, i32) {
    %c0_i32 = arith.constant 0 : i32
    %c0_i32_0 = arith.constant 0 : i32
    return %arg0, %c0_i32 : i32, i32
  }
}

</mosaic_0001>

<sc_bundles>
// kernel: kernel.6.cloned.1.call-start
scs
__scs_entry_jumppad:
0x0: {  	(pc) =	sbr.rel $0x88, $3  }
0x1: {  	(tag) =	ssettag $0x0;
	lr =	simm.s32 $0x1  }
0x2: {  	[smem:$0x3F9E] =	sst lr;
	_ =	strace $0xD0000000  }
0x3: {  	_ = 	snop  }
0x4: {  	_ = 	snop  }
0x5: {  	_ = 	snop  }
0x6: {  	_ = 	snop  }
0x7: {  	_ = 	snop  }
__scs_overlays_trampoline_lowered:
0x8: {  	[smem:$0x3FAD] =	sst s0  }
0x9: {  	[smem:$0x3FAE] =	sst s1  }
0xa: {  	[smem:$0x3FAF] =	sst s2  }
0xb: {  	[smem:$0x3FB0] =	sst s3  }
0xc: {  	[smem:$0x3FB1] =	sst s4  }
0xd: {  	[smem:$0x3FB2] =	sst s5  }
0xe: {  	[smem:$0x3FB3] =	sst s6  }
0xf: {  	[smem:$0x3FB4] =	sst s7  }
0x10: {  	[smem:$0x3FB5] =	sst s8  }
0x11: {  	[smem:$0x3FB6] =	sst s9;
	s0 =	simm.s32 @!p0 $0x0  }
0x12: {  	s1 =	sld [smem:$0x3F9C];
	s0 =	simm.s32 @p0 $0x1  }
0x13: {  	[smem:$0x3FB7] =	sst s0;
	s0 =	simm.s32 @!p1 $0x0  }
0x14: {  	s2 =	sld [smem:$0x3F9B];
	s0 =	simm.s32 @p1 $0x1  }
0x15: {  	[smem:$0x3FB8] =	sst s0;
	s0 =	simm.s32 @!p2 $0x0  }
0x16: {  	s3 =	sld [smem:$0x3FDB];
	s0 =	simm.s32 @p2 $0x1  }
0x17: {  	s4 =	simm.s32 $0x1BF5;
	[smem:$0x3FBA] =	sst s0  }
0x18: {  	s0 =	sld [smem:$0x3F9D];
	_ =	swait.ge [sflag:s4], $0x0  }
0x19: {  	s7 =	sld [smem:$0x3F9E]  }
0x1a: {  	s8 =	sadd.s32 $0xFFFFE003, lr  }
0x1b: {  	s9 =	sadd.s32 $0xFFFFFEF7, lr;
	s5 =	simm.s32 $0xFFFFFFFF;
	p2 =	slt.u32 s8, $0xFFFFF086  }
0x1c: {  	p1 =	slt.u32 s9, $0xF7A;
	s5 =	simm.s32 @!p2 $0x0  }
0x1d: {  	s5 =	simm.s32 @p1 $0x1;
	p0 =	seq.s32 s7, s2  }
0x1e: {  	s7 =	smul.u32 @!p0 $0xF7A, s2;
	p2 =	seq.s32 @!p0 s5, $0x0  }
0x1f: {  	s9 =	smul.u32 $0xF7A, s1;
	s8 =	simm.s32 @!p0 $0x1BF5;
	p2 =	por !p2, p0  }
0x20: {  	[sflag:s8] =	ssyncset.s32 @!p0 $0xFFFFF086;
	s6 =	sadd.s32 @!p0 s3, s7;
	s7 =	simm.s32 @!p0 $0x108  }
0x21: {  	s3 =	sadd.s32 s3, s9;
	s6 =	sadd.s32 @!p0 $0x88, s6;
	s7 =	simm.s32 @p2 $0x1082  }
0x22: {  	[simem:s7], [sflag:s8] =	dma.local @!p0 [hbm:s6], $0xF7A  }
0x23: {  	s9 =	sor.u32 $0xD0000000, s2;
	s6 =	simm.s32 $0x108;
	_ =	swait.ge @!p0 [sflag:s8], $0x0  }
0x24: {  	s3 =	sadd.s32 $0x88, s3;
	s6 =	simm.s32 @!p1 $0x1082;
	[sflag:s4] =	ssyncset.s32 $0xFFFFF086  }
0x25: {  	[simem:s6], [sflag:s4] =	dma.local [hbm:s3], $0xF7A  }
0x26: {  	[smem:$0x3F9E] =	sst s1;
	(tag) =	ssettag s2;
	_ =	strace s9  }
0x27: {  	s1 =	sld [smem:$0x3FAE]  }
0x28: {  	s2 =	sld [smem:$0x3FAF]  }
0x29: {  	s4 =	sld [smem:$0x3FB1]  }
0x2a: {  	p0 =	seq.s32 s5, $0x0;
	s5 =	sld [smem:$0x3FB2]  }
0x2b: {  	s6 =	sld [smem:$0x3FB3]  }
0x2c: {  	s7 =	sld [smem:$0x3FB4]  }
0x2d: {  	s3 =	simm.s32 $0x108;
	s8 =	sld [smem:$0x3FB5]  }
0x2e: {  	s3 =	simm.s32 @!p0 $0x1082;
	s9 =	sld [smem:$0x3FB6]  }
0x2f: {  	lr =	sadd.s32 s0, s3;
	s0 =	sld [smem:$0x3FAD]  }
0x30: {  	s3 =	sld [smem:$0x3FB0]  }
0x31: {  	[smem:$0x3FB9] =	sst s10  }
0x32: {  	s10 =	sld [smem:$0x3FB7];
	_ =	sdelay $0x3  }
0x33: {  	p0 =	seq.s32 s10, $0x1;
	s10 =	sld [smem:$0x3FB9];
	_ =	sdelay $0x3  }
0x34: {  	[smem:$0x3FB9] =	sst s10  }
0x35: {  	s10 =	sld [smem:$0x3FB8];
	_ =	sdelay $0x3  }
0x36: {  	p1 =	seq.s32 s10, $0x1;
	s10 =	sld [smem:$0x3FB9];
	_ =	sdelay $0x3  }
0x37: {  	[smem:$0x3FB9] =	sst s10  }
0x38: {  	s10 =	sld [smem:$0x3FBA]  }
0x39: {  	_ = 	snop;
	(pc) =	sbr.ind lr, $3  }
0x3a: {  	_ = 	snop  }
0x3b: {  	_ = 	snop  }
0x3c: {  	p2 =	seq.s32 s10, $0x1;
	s10 =	sld [smem:$0x3FB9]  }
0x3d: {  	_ =	shalt  }
0x3e: {  	_ =	shalt  }
0x3f: {  	_ =	shalt  }
0x40: {  	_ =	shalt  }
0x41: {  	_ =	shalt  }
0x42: {  	_ =	shalt  }
0x43: {  	_ =	shalt  }
0x44: {  	_ =	shalt  }
0x45: {  	_ =	shalt  }
0x46: {  	_ =	shalt  }
0x47: {  	_ =	shalt  }
0x48: {  	_ =	shalt  }
0x49: {  	_ =	shalt  }
0x4a: {  	_ =	shalt  }
0x4b: {  	_ =	shalt  }
0x4c: {  	_ =	shalt  }
0x4d: {  	_ =	shalt  }
0x4e: {  	_ =	shalt  }
0x4f: {  	_ =	shalt  }
0x50: {  	_ =	shalt  }
0x51: {  	_ =	shalt  }
0x52: {  	_ =	shalt  }
0x53: {  	_ =	shalt  }
0x54: {  	_ =	shalt  }
0x55: {  	_ =	shalt  }
0x56: {  	_ =	shalt  }
0x57: {  	_ =	shalt  }
0x58: {  	_ =	shalt  }
0x59: {  	_ =	shalt  }
0x5a: {  	_ =	shalt  }
0x5b: {  	_ =	shalt  }
0x5c: {  	_ =	shalt  }
0x5d: {  	_ =	shalt  }
0x5e: {  	_ =	shalt  }
0x5f: {  	_ =	shalt  }
0x60: {  	_ =	shalt  }
0x61: {  	_ =	shalt  }
0x62: {  	_ =	shalt  }
0x63: {  	_ =	shalt  }
0x64: {  	_ =	shalt  }
0x65: {  	_ =	shalt  }
0x66: {  	_ =	shalt  }
0x67: {  	_ =	shalt  }
0x68: {  	_ =	shalt  }
0x69: {  	_ =	shalt  }
0x6a: {  	_ =	shalt  }
0x6b: {  	_ =	shalt  }
0x6c: {  	_ =	shalt  }
0x6d: {  	_ =	shalt  }
0x6e: {  	_ =	shalt  }
0x6f: {  	_ =	shalt  }
0x70: {  	_ =	shalt  }
0x71: {  	_ =	shalt  }
0x72: {  	_ =	shalt  }
0x73: {  	_ =	shalt  }
0x74: {  	_ =	shalt  }
0x75: {  	_ =	shalt  }
0x76: {  	_ =	shalt  }
0x77: {  	_ =	shalt  }
0x78: {  	_ =	shalt  }
0x79: {  	_ =	shalt  }
0x7a: {  	_ =	shalt  }
0x7b: {  	_ =	shalt  }
0x7c: {  	_ =	shalt  }
0x7d: {  	_ =	shalt  }
0x7e: {  	_ =	shalt  }
0x7f: {  	_ =	shalt  }
0x80: {  	_ =	shalt  }
0x81: {  	_ =	shalt  }
0x82: {  	_ =	shalt  }
0x83: {  	_ =	shalt  }
0x84: {  	_ =	shalt  }
0x85: {  	_ =	shalt  }
0x86: {  	_ =	shalt  }
0x87: {  	_ =	shalt  }
.Lfunc_end0:
.L_simem_size_0:
called_computation_lowered:
.L_overlay_start_0:
0x88: {  	s2 =	sld [smem:$0x3FD9]  }
0x89: {  	s3 =	sld [smem:$0x3FFE];
	_ =	sdelay $0x1  }
0x8a: {  	s1 =	srdreg.scid  }
0x8b: {  	s0 =	sand.u32 $0x1, s1  }
0x8c: {  	s14 =	sshll.u32 s0, $0xA;
	s2 =	sadd.s32 s3, s2  }
0x8d: {  	s2 =	sadd.s32 s2, s14  }
0x8e: {  	[smem:$0x3FC5] =	sst s2  }
0x8f: {  	_ = 	snop  }
0x90: {  	s2 =	sld [smem:$0x3FD0];
	_ =	sdelay $0x2  }
0x91: {  	s15 =	simm.s32 $0xA;
	s4 =	simm.s32 $0x10  }
0x92: {  	[smem:s4], [sflag:s15] =	dma.local [hbm:s2], $0x1  }
0x93: {  	_ =	swait.eq [sflag:s15], $0x1  }
0x94: {  	[sflag:s15] =	ssyncset.done $0x0  }
0x95: {  	s16 =	sld [smem:$0x10];
	[sflag:s15] =	ssyncadd.s32 $0xFFFFFFFF  }
0x96: {  	s17 =	sld [smem:$0x12];
	(tm) =	ssettm $0x1  }
0x97: {  	s18 =	sld [smem:$0x3FFB];
	_ =	sdelay $0x3  }
0x98: {  	_ =	strace s18  }
0x99: {  	s4 =	sld [smem:$0x3FFC];
	_ =	sdelay $0x3  }
0x9a: {  	_ =	strace s4  }
0x9b: {  	s4 =	sld [smem:$0x3FFD];
	_ =	sdelay $0x3  }
0x9c: {  	_ =	strace s4  }
0x9d: {  	_ =	strace $0x8FFFFFFF  }
0x9e: {  	s19 =	sld [smem:$0x3FDB];
	_ =	sdelay $0x1  }
0x9f: {  	s5 =	simm.s32 $_scs_section_size  }
0xa0: {  	s6 =	simm.s32 $_size__tile_overlayer_lowered;
	s7 =	simm.s32 $_tile_overlayer_lowered  }
0xa1: {  	s22 =	simm.s32 $0x1BFF;
	s21 =	sshll.u32 s7, $0x1;
	s4 =	sadd.s32 s5, s19  }
0xa2: {  	s8 =	simm.s32 $0x0;
	s20 =	sshll.u32 s6, $0x1;
	s6 =	sadd.s32 s21, s4  }
0xa3: {  	[timem:s8], [sflag:s22] =	dma.local [hbm:s6], s20  }
0xa4: {  	_ =	swait.ge [sflag:s22], s20  }
0xa5: {  	s5 =	ssub.s32 $0x0, s20;
	[sflag:s22] =	ssyncset.done $0x0  }
0xa6: {  	[sflag:s22] =	ssyncadd.s32 s5;
	_ =	sdelay $0x1  }
0xa7: {  	s23 =	simm.s32 $0x1B8B  }
0xa8: {  	_ =	swait.ge [sflag:s23], $0x1  }
0xa9: {  	[sflag:s23] =	ssyncset.done $0x0  }
0xaa: {  	s25 =	simm.s32 $0x1B8E;
	s24 =	sld [smem:$0x3FFE];
	[sflag:s23] =	ssyncadd.s32 $0xFFFFFFFF  }
0xab: {  	s26 =	simm.s32 $execute0_lowered;
	[smem:$0x3FD2] =	sst s25  }
0xac: {  	s6 =	sshll.u32 s26, $0x1;
	_ =	strace $0x80000046;
	[dreg:$0x1] =	wrdreg $0xFFFFFFFF  }
0xad: {  	s28 =	simm.s32 $_size_execute0_lowered;
	s4 =	sadd.s32 s4, s6;
	[dreg:$0x0] =	wrdreg $0x0  }
0xae: {  	s6 =	sshll.u32 s28, $0x1;
	[dreg:$0x2] =	wrdreg s4  }
0xaf: {  	[dreg:$0x3] =	wrdreg s6  }
0xb0: {  	[dreg:$0x4] =	wrdreg $0xC0  }
0xb1: {  	_ =	task [dreg:s8], $0x5FFFF  }
0xb2: {  	[dreg:$0x1] =	wrdreg $0xFFFFFFFF  }
0xb3: {  	[dreg:$0x0] =	wrdreg $0x60  }
0xb4: {  	[dreg:$0x2] =	wrdreg s16  }
0xb5: {  	[dreg:$0x3] =	wrdreg s17  }
0xb6: {  	[dreg:$0x4] =	wrdreg s24  }
0xb7: {  	[dreg:$0x5] =	wrdreg $0x9  }
0xb8: {  	_ =	task.clear_ibuf [dreg:s8], $0x6FFFF;
	_ =	strace $0x90000046  }
0xb9: {  	s29 =	simm.s32 $0x9;
	_ =	strace $0x80000048  }
0xba: {  	_ =	swait.ge [sflag:s29], $0x1  }
0xbb: {  	[sflag:s29] =	ssyncadd.s32 $0xFFFFFFFF  }
0xbc: {  	_ =	strace $0x90000048  }
0xbd: {  	_ =	sfence  }
0xbe: {  	s30 =	sld [smem:$0x0];
	_ =	sdelay $0x2  }
0xbf: {  	s31 =	sshll.u32 s1, $0xD;
	s1 =	sshrl.u32 s1, $0x2  }
0xc0: {  	s3 =	sand.u32 $0x4000, s31;
	s1 =	sadd.s32 s1, s30  }
0xc1: {  	s0 =	sor.u32 s3, s0;
	s1 =	sshll.u32 s1, $0x11  }
0xc2: {  	s0 =	sor.u32 s1, s0  }
0xc3: {  	s0 =	sadd.s32 $0x8F2B, s0  }
0xc4: {  	[sflag:s0] =	ssyncadd.remote.s32 $0x1  }
0xc5: {  	_ =	sfence.sel $0xFFFF  }
0xc6: {  	[dreg:$0x0] =	wrdreg $0xFFFFFFFF;
	(pc) =	sbr.abs _section_cstart, $3  }
0xc7: {  	[dreg:$0x1] =	wrdreg $0xFFFFFFFF  }
0xc8: {  	_ =	task.clear_ibuf [dreg:s8], $0x2FFFF;
	_ =	strace $0x9FFFFFFF  }
0xc9: {  	(tm) =	ssettm $0x7FFFFFFF  }
tec
execute0_lowered:
.L_overlay_start_1:
0x0: {  	(tag) =	ssettag $0x1  }
0x1: {  	s1 =	rddreg [dreg:$0x0];
	s2 =	srdreg.scid  }
0x2: {  	s4 =	rddreg [dreg:$0x1];
	s0 =	stileid.u32  }
0x3: {  	s8 =	rddreg [dreg:$0x2];
	s3 =	simm.s32 $0x0;
	s6 =	sand.u32 $0x1, s2  }
0x4: {  	s5 =	sshll.u32 s0, $0x8;
	s2 =	rddreg [dreg:$0x3];
	s7 =	sshll.u32 s6, $0x7  }
0x5: {  	[smem:$0x7FF] =	sst s3;
	s9 =	sor.u32 s7, s5  }
0x6: {  	_ =	strace $0x80000047;
	s10 =	ssub.s32 $0x2, s6;
	s5 =	sshrl.u32 s9, $0x3  }
0x7: {  	s6 =	simm.s32 $0x80;
	s5 =	sadd.s32 s4, s5;
	s4 =	simm.s32 $0x2  }
0x8: {  	[tilespmem:s3], [sflag:$0x2] =	stream.linear.gather [hbm4b:s5+s3], $0x80, $0x38;
	[tilespmem:$0x4080] =	vst v63  }
0x9: {  	s7 =	simm.s32 $0x1;
	s11 =	sshrl.u32 s10, $0x1;
	_ =	swait.ge [sflag:s4], $0x80  }
0xa: {  	s9 =	sshll.u32 s9, $0x4;
	s31 =	ssub.s32 s10, s11;
	[sflag:s4] =	ssyncset.done $0x0  }
0xb: {  	s8 =	sadd.s32 s9, s8;
	s9 =	smax.u32 s31, $0x1;
	[sflag:s4] =	ssyncadd.s32 $0xFFFFFF80  }
0xc: {  	[tilespmem:s6], [sflag:$0x1] =	stream.indirect.gather [hbm4b:s1+s6], $0x80, s3, s6, $0xb8;
	[tilespmem:$0x4080] =	vst v63  }
0xd: {  	p0 =	sne.s32 s9, $0x1;
	_ =	swait.ge [sflag:s7], $0x4000  }
.Ltmp0:
0xe: {  	[sflag:s7] =	ssyncset.done $0x0;
	(pc) =	sbr.rel @!p0 .LBB2_2-.Ltmp0, $4  }
0xf: {  	s8 =	sadd.s32 $0x40200, s8;
	[sflag:s7] =	ssyncadd.s32 $0xFFFFC000  }
0x10: {  	[hbm4b:s8+s3] =	stream.linear.scatter [tilespmem:s6], [sflag:$0x2], $0x4000, $0x38;
	[tilespmem:$0x4080] =	vst v63  }
0x11: {  	_ =	swait.ge [sflag:s4], $0x4000  }
0x12: {  	s9 =	sadd.s32 $0xFFFFFFFF, s9;
	[sflag:s4] =	ssyncset.done $0x0  }
.LBB2_1:
0x13: {  	p0 =	sne.s32 s9, $0x1;
	s9 =	sadd.s32 $0xFFFFFFFF, s9;
	[sflag:s4] =	ssyncadd.s32 $0xFFFFC000  }
0x14: {  	[tilespmem:s3], [sflag:$0x2] =	stream.linear.gather [hbm4b:s5+s3], $0x80, $0x38;
	[tilespmem:$0x4080] =	vst v63  }
0x15: {  	_ =	swait.ge [sflag:s4], $0x80  }
0x16: {  	[sflag:s4] =	ssyncset.done $0x0  }
0x17: {  	[sflag:s4] =	ssyncadd.s32 $0xFFFFFF80  }
0x18: {  	[tilespmem:s6], [sflag:$0x1] =	stream.indirect.gather [hbm4b:s1+s6], $0x80, s3, s6, $0xb8;
	[tilespmem:$0x4080] =	vst v63  }
0x19: {  	_ =	swait.ge [sflag:s7], $0x4000  }
.Ltmp1:
0x1a: {  	[sflag:s7] =	ssyncset.done $0x0;
	(pc) =	sbr.rel @p0 .LBB2_1-.Ltmp1, $4  }
0x1b: {  	[sflag:s7] =	ssyncadd.s32 $0xFFFFC000  }
0x1c: {  	[hbm4b:s8+s3] =	stream.linear.scatter [tilespmem:s6], [sflag:$0x2], $0x4000, $0x38;
	[tilespmem:$0x4080] =	vst v63  }
0x1d: {  	_ =	swait.ge [sflag:s4], $0x4000  }
0x1e: {  	[sflag:s4] =	ssyncset.done $0x0  }
.LBB2_2:
0x1f: {  	[sflag:s4] =	ssyncadd.s32 $0xFFFFC000  }
0x20: {  	_ =	sfence.sel $0x180000  }
0x21: {  	[bflag:$0x0] =	sbarrier.arrive $0xFFFF  }
0x22: {  	p0 =	sne.s32 s0, $0x0;
	_ =	strace $0x90000047  }
0x23: {  	s0 =	sadd.s32 @!p0 $0x100000, s2;
	[bflag:$0x2] =	sbarrier.arrive $0xFFFF  }
0x24: {  	[sflag:s0] =	ssyncadd.tile.s32 @!p0 $0x1;
	_ =	shalt  }
.Lfunc_end2:
_tile_overlayer_lowered:
.L_overlay_start_2:
0x25: {  	(tag) =	ssettag $0x2  }
0x26: {  	s0 =	rddreg [dreg:$0x0];
	s2 =	stileid.u32  }
0x27: {  	s1 =	rddreg [dreg:$0x1];
	p0 =	sne.s32 s2, $0x0  }
0x28: {  	s3 =	rddreg [dreg:$0x2];
	[bflag:$0x3] =	sbarrier.arrive $0xFFFF;
	s2 =	simm.s32 @!p0 $0x1C02  }
0x29: {  	[timem:s3], [sflag:s2] =	dma.local @!p0 [hbm:s0], s1  }
0x2a: {  	s0 =	simm.s32 @!p0 $0x2  }
0x2b: {  	_ =	swait.ge @!p0 [sflag:s0], s1  }
0x2c: {  	s1 =	ssub.s32 @!p0 $0x0, s1;
	[sflag:s0] =	ssyncset.done @!p0 $0x0  }
0x2d: {  	[sflag:s0] =	ssyncadd.s32 @!p0 s1  }
0x2e: {  	[bflag:$0x3] =	sbarrier.arrive $0xFFFF  }
0x2f: {  	_ =	shalt  }

// kernel: kernel.9.cloned.1.call-start
scs
__scs_entry_jumppad:
0x0: {  	(pc) =	sbr.rel $0x88, $3  }
0x1: {  	(tag) =	ssettag $0x0;
	lr =	simm.s32 $0x1  }
0x2: {  	[smem:$0x3F9E] =	sst lr;
	_ =	strace $0xD0000000  }
0x3: {  	_ = 	snop  }
0x4: {  	_ = 	snop  }
0x5: {  	_ = 	snop  }
0x6: {  	_ = 	snop  }
0x7: {  	_ = 	snop  }
__scs_overlays_trampoline_lowered:
0x8: {  	[smem:$0x3FAD] =	sst s0  }
0x9: {  	[smem:$0x3FAE] =	sst s1  }
0xa: {  	[smem:$0x3FAF] =	sst s2  }
0xb: {  	[smem:$0x3FB0] =	sst s3  }
0xc: {  	[smem:$0x3FB1] =	sst s4  }
0xd: {  	[smem:$0x3FB2] =	sst s5  }
0xe: {  	[smem:$0x3FB3] =	sst s6  }
0xf: {  	[smem:$0x3FB4] =	sst s7  }
0x10: {  	[smem:$0x3FB5] =	sst s8  }
0x11: {  	[smem:$0x3FB6] =	sst s9;
	s0 =	simm.s32 @!p0 $0x0  }
0x12: {  	s1 =	sld [smem:$0x3F9C];
	s0 =	simm.s32 @p0 $0x1  }
0x13: {  	[smem:$0x3FB7] =	sst s0;
	s0 =	simm.s32 @!p1 $0x0  }
0x14: {  	s2 =	sld [smem:$0x3F9B];
	s0 =	simm.s32 @p1 $0x1  }
0x15: {  	[smem:$0x3FB8] =	sst s0;
	s0 =	simm.s32 @!p2 $0x0  }
0x16: {  	s3 =	sld [smem:$0x3FDB];
	s0 =	simm.s32 @p2 $0x1  }
0x17: {  	s4 =	simm.s32 $0x1BF5;
	[smem:$0x3FBA] =	sst s0  }
0x18: {  	s0 =	sld [smem:$0x3F9D];
	_ =	swait.ge [sflag:s4], $0x0  }
0x19: {  	s7 =	sld [smem:$0x3F9E]  }
0x1a: {  	s8 =	sadd.s32 $0xFFFFE003, lr  }
0x1b: {  	s9 =	sadd.s32 $0xFFFFFEF7, lr;
	s5 =	simm.s32 $0xFFFFFFFF;
	p2 =	slt.u32 s8, $0xFFFFF086  }
0x1c: {  	p1 =	slt.u32 s9, $0xF7A;
	s5 =	simm.s32 @!p2 $0x0  }
0x1d: {  	s5 =	simm.s32 @p1 $0x1;
	p0 =	seq.s32 s7, s2  }
0x1e: {  	s7 =	smul.u32 @!p0 $0xF7A, s2;
	p2 =	seq.s32 @!p0 s5, $0x0  }
0x1f: {  	s9 =	smul.u32 $0xF7A, s1;
	s8 =	simm.s32 @!p0 $0x1BF5;
	p2 =	por !p2, p0  }
0x20: {  	[sflag:s8] =	ssyncset.s32 @!p0 $0xFFFFF086;
	s6 =	sadd.s32 @!p0 s3, s7;
	s7 =	simm.s32 @!p0 $0x108  }
0x21: {  	s3 =	sadd.s32 s3, s9;
	s6 =	sadd.s32 @!p0 $0x88, s6;
	s7 =	simm.s32 @p2 $0x1082  }
0x22: {  	[simem:s7], [sflag:s8] =	dma.local @!p0 [hbm:s6], $0xF7A  }
0x23: {  	s9 =	sor.u32 $0xD0000000, s2;
	s6 =	simm.s32 $0x108;
	_ =	swait.ge @!p0 [sflag:s8], $0x0  }
0x24: {  	s3 =	sadd.s32 $0x88, s3;
	s6 =	simm.s32 @!p1 $0x1082;
	[sflag:s4] =	ssyncset.s32 $0xFFFFF086  }
0x25: {  	[simem:s6], [sflag:s4] =	dma.local [hbm:s3], $0xF7A  }
0x26: {  	[smem:$0x3F9E] =	sst s1;
	(tag) =	ssettag s2;
	_ =	strace s9  }
0x27: {  	s1 =	sld [smem:$0x3FAE]  }
0x28: {  	s2 =	sld [smem:$0x3FAF]  }
0x29: {  	s4 =	sld [smem:$0x3FB1]  }
0x2a: {  	p0 =	seq.s32 s5, $0x0;
	s5 =	sld [smem:$0x3FB2]  }
0x2b: {  	s6 =	sld [smem:$0x3FB3]  }
0x2c: {  	s7 =	sld [smem:$0x3FB4]  }
0x2d: {  	s3 =	simm.s32 $0x108;
	s8 =	sld [smem:$0x3FB5]  }
0x2e: {  	s3 =	simm.s32 @!p0 $0x1082;
	s9 =	sld [smem:$0x3FB6]  }
0x2f: {  	lr =	sadd.s32 s0, s3;
	s0 =	sld [smem:$0x3FAD]  }
0x30: {  	s3 =	sld [smem:$0x3FB0]  }
0x31: {  	[smem:$0x3FB9] =	sst s10  }
0x32: {  	s10 =	sld [smem:$0x3FB7];
	_ =	sdelay $0x3  }
0x33: {  	p0 =	seq.s32 s10, $0x1;
	s10 =	sld [smem:$0x3FB9];
	_ =	sdelay $0x3  }
0x34: {  	[smem:$0x3FB9] =	sst s10  }
0x35: {  	s10 =	sld [smem:$0x3FB8];
	_ =	sdelay $0x3  }
0x36: {  	p1 =	seq.s32 s10, $0x1;
	s10 =	sld [smem:$0x3FB9];
	_ =	sdelay $0x3  }
0x37: {  	[smem:$0x3FB9] =	sst s10  }
0x38: {  	s10 =	sld [smem:$0x3FBA]  }
0x39: {  	_ = 	snop;
	(pc) =	sbr.ind lr, $3  }
0x3a: {  	_ = 	snop  }
0x3b: {  	_ = 	snop  }
0x3c: {  	p2 =	seq.s32 s10, $0x1;
	s10 =	sld [smem:$0x3FB9]  }
0x3d: {  	_ =	shalt  }
0x3e: {  	_ =	shalt  }
0x3f: {  	_ =	shalt  }
0x40: {  	_ =	shalt  }
0x41: {  	_ =	shalt  }
0x42: {  	_ =	shalt  }
0x43: {  	_ =	shalt  }
0x44: {  	_ =	shalt  }
0x45: {  	_ =	shalt  }
0x46: {  	_ =	shalt  }
0x47: {  	_ =	shalt  }
0x48: {  	_ =	shalt  }
0x49: {  	_ =	shalt  }
0x4a: {  	_ =	shalt  }
0x4b: {  	_ =	shalt  }
0x4c: {  	_ =	shalt  }
0x4d: {  	_ =	shalt  }
0x4e: {  	_ =	shalt  }
0x4f: {  	_ =	shalt  }
0x50: {  	_ =	shalt  }
0x51: {  	_ =	shalt  }
0x52: {  	_ =	shalt  }
0x53: {  	_ =	shalt  }
0x54: {  	_ =	shalt  }
0x55: {  	_ =	shalt  }
0x56: {  	_ =	shalt  }
0x57: {  	_ =	shalt  }
0x58: {  	_ =	shalt  }
0x59: {  	_ =	shalt  }
0x5a: {  	_ =	shalt  }
0x5b: {  	_ =	shalt  }
0x5c: {  	_ =	shalt  }
0x5d: {  	_ =	shalt  }
0x5e: {  	_ =	shalt  }
0x5f: {  	_ =	shalt  }
0x60: {  	_ =	shalt  }
0x61: {  	_ =	shalt  }
0x62: {  	_ =	shalt  }
0x63: {  	_ =	shalt  }
0x64: {  	_ =	shalt  }
0x65: {  	_ =	shalt  }
0x66: {  	_ =	shalt  }
0x67: {  	_ =	shalt  }
0x68: {  	_ =	shalt  }
0x69: {  	_ =	shalt  }
0x6a: {  	_ =	shalt  }
0x6b: {  	_ =	shalt  }
0x6c: {  	_ =	shalt  }
0x6d: {  	_ =	shalt  }
0x6e: {  	_ =	shalt  }
0x6f: {  	_ =	shalt  }
0x70: {  	_ =	shalt  }
0x71: {  	_ =	shalt  }
0x72: {  	_ =	shalt  }
0x73: {  	_ =	shalt  }
0x74: {  	_ =	shalt  }
0x75: {  	_ =	shalt  }
0x76: {  	_ =	shalt  }
0x77: {  	_ =	shalt  }
0x78: {  	_ =	shalt  }
0x79: {  	_ =	shalt  }
0x7a: {  	_ =	shalt  }
0x7b: {  	_ =	shalt  }
0x7c: {  	_ =	shalt  }
0x7d: {  	_ =	shalt  }
0x7e: {  	_ =	shalt  }
0x7f: {  	_ =	shalt  }
0x80: {  	_ =	shalt  }
0x81: {  	_ =	shalt  }
0x82: {  	_ =	shalt  }
0x83: {  	_ =	shalt  }
0x84: {  	_ =	shalt  }
0x85: {  	_ =	shalt  }
0x86: {  	_ =	shalt  }
0x87: {  	_ =	shalt  }
.Lfunc_end0:
.L_simem_size_0:
called_computation.1_lowered:
.L_overlay_start_0:
0x88: {  	s2 =	sld [smem:$0x3FD9]  }
0x89: {  	s3 =	sld [smem:$0x3FFE];
	_ =	sdelay $0x1  }
0x8a: {  	s1 =	srdreg.scid  }
0x8b: {  	s0 =	sand.u32 $0x1, s1  }
0x8c: {  	s14 =	sshll.u32 s0, $0xA;
	s2 =	sadd.s32 s3, s2  }
0x8d: {  	s2 =	sadd.s32 s2, s14  }
0x8e: {  	[smem:$0x3FC5] =	sst s2  }
0x8f: {  	_ = 	snop  }
0x90: {  	s2 =	sld [smem:$0x3FD0];
	_ =	sdelay $0x2  }
0x91: {  	s15 =	simm.s32 $0xA;
	s4 =	simm.s32 $0x10  }
0x92: {  	[smem:s4], [sflag:s15] =	dma.local [hbm:s2], $0x1  }
0x93: {  	_ =	swait.eq [sflag:s15], $0x1  }
0x94: {  	[sflag:s15] =	ssyncset.done $0x0  }
0x95: {  	s16 =	sld [smem:$0x10];
	[sflag:s15] =	ssyncadd.s32 $0xFFFFFFFF  }
0x96: {  	s17 =	sld [smem:$0x12];
	(tm) =	ssettm $0x1  }
0x97: {  	s18 =	sld [smem:$0x3FFB];
	_ =	sdelay $0x3  }
0x98: {  	_ =	strace s18  }
0x99: {  	s4 =	sld [smem:$0x3FFC];
	_ =	sdelay $0x3  }
0x9a: {  	_ =	strace s4  }
0x9b: {  	s4 =	sld [smem:$0x3FFD];
	_ =	sdelay $0x3  }
0x9c: {  	_ =	strace s4  }
0x9d: {  	_ =	strace $0x8FFFFFFF  }
0x9e: {  	s19 =	sld [smem:$0x3FDB];
	_ =	sdelay $0x1  }
0x9f: {  	s5 =	simm.s32 $_scs_section_size  }
0xa0: {  	s6 =	simm.s32 $_size__tile_overlayer_lowered;
	s7 =	simm.s32 $_tile_overlayer_lowered  }
0xa1: {  	s22 =	simm.s32 $0x1BFF;
	s21 =	sshll.u32 s7, $0x1;
	s4 =	sadd.s32 s5, s19  }
0xa2: {  	s8 =	simm.s32 $0x0;
	s20 =	sshll.u32 s6, $0x1;
	s6 =	sadd.s32 s21, s4  }
0xa3: {  	[timem:s8], [sflag:s22] =	dma.local [hbm:s6], s20  }
0xa4: {  	_ =	swait.ge [sflag:s22], s20  }
0xa5: {  	s5 =	ssub.s32 $0x0, s20;
	[sflag:s22] =	ssyncset.done $0x0  }
0xa6: {  	[sflag:s22] =	ssyncadd.s32 s5;
	_ =	sdelay $0x1  }
0xa7: {  	s23 =	simm.s32 $0x1B8B  }
0xa8: {  	_ =	swait.ge [sflag:s23], $0x1  }
0xa9: {  	[sflag:s23] =	ssyncset.done $0x0  }
0xaa: {  	s25 =	simm.s32 $0x1B8E;
	s24 =	sld [smem:$0x3FFE];
	[sflag:s23] =	ssyncadd.s32 $0xFFFFFFFF  }
0xab: {  	s26 =	simm.s32 $execute0_lowered;
	[smem:$0x3FD2] =	sst s25  }
0xac: {  	s6 =	sshll.u32 s26, $0x1;
	_ =	strace $0x80000049;
	[dreg:$0x1] =	wrdreg $0xFFFFFFFF  }
0xad: {  	s28 =	simm.s32 $_size_execute0_lowered;
	s4 =	sadd.s32 s4, s6;
	[dreg:$0x0] =	wrdreg $0x0  }
0xae: {  	s6 =	sshll.u32 s28, $0x1;
	[dreg:$0x2] =	wrdreg s4  }
0xaf: {  	[dreg:$0x3] =	wrdreg s6  }
0xb0: {  	[dreg:$0x4] =	wrdreg $0xC0  }
0xb1: {  	_ =	task [dreg:s8], $0x5FFFF  }
0xb2: {  	[dreg:$0x1] =	wrdreg $0xFFFFFFFF  }
0xb3: {  	[dreg:$0x0] =	wrdreg $0x60  }
0xb4: {  	[dreg:$0x2] =	wrdreg s24  }
0xb5: {  	[dreg:$0x3] =	wrdreg s17  }
0xb6: {  	[dreg:$0x4] =	wrdreg s16  }
0xb7: {  	[dreg:$0x5] =	wrdreg $0x9  }
0xb8: {  	_ =	task.clear_ibuf [dreg:s8], $0x6FFFF;
	_ =	strace $0x90000049  }
0xb9: {  	s29 =	simm.s32 $0x9;
	_ =	strace $0x8000004B  }
0xba: {  	_ =	swait.ge [sflag:s29], $0x1  }
0xbb: {  	[sflag:s29] =	ssyncadd.s32 $0xFFFFFFFF  }
0xbc: {  	_ =	strace $0x9000004B  }
0xbd: {  	_ =	sfence  }
0xbe: {  	s30 =	sld [smem:$0x0];
	_ =	sdelay $0x2  }
0xbf: {  	s31 =	sshll.u32 s1, $0xD;
	s1 =	sshrl.u32 s1, $0x2  }
0xc0: {  	s3 =	sand.u32 $0x4000, s31;
	s1 =	sadd.s32 s1, s30  }
0xc1: {  	s0 =	sor.u32 s3, s0;
	s1 =	sshll.u32 s1, $0x11  }
0xc2: {  	s0 =	sor.u32 s1, s0  }
0xc3: {  	s0 =	sadd.s32 $0x8F2B, s0  }
0xc4: {  	[sflag:s0] =	ssyncadd.remote.s32 $0x1  }
0xc5: {  	_ =	sfence.sel $0xFFFF  }
0xc6: {  	[dreg:$0x0] =	wrdreg $0xFFFFFFFF;
	(pc) =	sbr.abs _section_cstart, $3  }
0xc7: {  	[dreg:$0x1] =	wrdreg $0xFFFFFFFF  }
0xc8: {  	_ =	task.clear_ibuf [dreg:s8], $0x2FFFF;
	_ =	strace $0x9FFFFFFF  }
0xc9: {  	(tm) =	ssettm $0x7FFFFFFF  }
tec
execute0_lowered:
.L_overlay_start_1:
0x0: {  	(tag) =	ssettag $0x1  }
0x1: {  	s5 =	rddreg [dreg:$0x0]  }
0x2: {  	s1 =	srdreg.scid;
	s3 =	rddreg [dreg:$0x1]  }
0x3: {  	s0 =	stileid.u32;
	s8 =	rddreg [dreg:$0x2];
	s6 =	sand.u32 $0x1, s1  }
0x4: {  	s2 =	simm.s32 $0x0;
	s4 =	sshll.u32 s0, $0xA;
	s7 =	sshll.u32 s6, $0x9  }
0x5: {  	[smem:$0x7FF] =	sst s2;
	s9 =	sor.u32 s7, s4  }
0x6: {  	s1 =	rddreg [dreg:$0x3];
	_ =	strace $0x8000004A;
	s4 =	sshrl.u32 s9, $0x3  }
0x7: {  	s10 =	ssub.s32 $0x2, s6;
	s4 =	sadd.s32 s3, s4;
	s3 =	simm.s32 $0x2  }
0x8: {  	[tilespmem:s2], [sflag:$0x2] =	stream.linear.gather [hbm4b:s4+s2], $0x200, $0x38;
	[tilespmem:$0x10200] =	vst v63  }
0x9: {  	s5 =	sadd.s32 $0x40200, s5;
	s11 =	sshrl.u32 s10, $0x1;
	_ =	swait.ge [sflag:s3], $0x200  }
0xa: {  	s6 =	simm.s32 $0x200;
	s10 =	ssub.s32 s10, s11;
	[sflag:s3] =	ssyncset.done $0x0  }
0xb: {  	s7 =	simm.s32 $0x1;
	s31 =	smax.u32 s10, $0x1;
	[sflag:s3] =	ssyncadd.s32 $0xFFFFFE00  }
0xc: {  	[tilespmem:s6], [sflag:$0x1] =	stream.indirect.gather [hbm4b:s5+s6], $0x80, s2, s6, $0xb8;
	[tilespmem:$0x10200] =	vst v63  }
0xd: {  	p0 =	sne.s32 s31, $0x1;
	_ =	swait.ge [sflag:s7], $0x10000  }
.Ltmp0:
0xe: {  	s9 =	sshll.u32 s9, $0x4;
	[sflag:s7] =	ssyncset.done $0x0;
	(pc) =	sbr.rel @!p0 .LBB2_2-.Ltmp0, $4  }
0xf: {  	s8 =	sadd.s32 s8, s9;
	[sflag:s7] =	ssyncadd.s32 $0xFFFF0000  }
0x10: {  	[hbm4b:s8+s2] =	stream.linear.scatter [tilespmem:s6], [sflag:$0x2], $0x10000, $0x38;
	[tilespmem:$0x10200] =	vst v63  }
0x11: {  	_ =	swait.ge [sflag:s3], $0x10000  }
0x12: {  	s9 =	sadd.s32 $0xFFFFFFFF, s31;
	[sflag:s3] =	ssyncset.done $0x0  }
.LBB2_1:
0x13: {  	p0 =	sne.s32 s9, $0x1;
	s9 =	sadd.s32 $0xFFFFFFFF, s9;
	[sflag:s3] =	ssyncadd.s32 $0xFFFF0000  }
0x14: {  	[tilespmem:s2], [sflag:$0x2] =	stream.linear.gather [hbm4b:s4+s2], $0x200, $0x38;
	[tilespmem:$0x10200] =	vst v63  }
0x15: {  	_ =	swait.ge [sflag:s3], $0x200  }
0x16: {  	[sflag:s3] =	ssyncset.done $0x0  }
0x17: {  	[sflag:s3] =	ssyncadd.s32 $0xFFFFFE00  }
0x18: {  	[tilespmem:s6], [sflag:$0x1] =	stream.indirect.gather [hbm4b:s5+s6], $0x80, s2, s6, $0xb8;
	[tilespmem:$0x10200] =	vst v63  }
0x19: {  	_ =	swait.ge [sflag:s7], $0x10000  }
.Ltmp1:
0x1a: {  	[sflag:s7] =	ssyncset.done $0x0;
	(pc) =	sbr.rel @p0 .LBB2_1-.Ltmp1, $4  }
0x1b: {  	[sflag:s7] =	ssyncadd.s32 $0xFFFF0000  }
0x1c: {  	[hbm4b:s8+s2] =	stream.linear.scatter [tilespmem:s6], [sflag:$0x2], $0x10000, $0x38;
	[tilespmem:$0x10200] =	vst v63  }
0x1d: {  	_ =	swait.ge [sflag:s3], $0x10000  }
0x1e: {  	[sflag:s3] =	ssyncset.done $0x0  }
.LBB2_2:
0x1f: {  	[sflag:s3] =	ssyncadd.s32 $0xFFFF0000  }
0x20: {  	_ =	sfence.sel $0x180000  }
0x21: {  	[bflag:$0x0] =	sbarrier.arrive $0xFFFF  }
0x22: {  	p0 =	sne.s32 s0, $0x0;
	_ =	strace $0x9000004A  }
0x23: {  	s0 =	sadd.s32 @!p0 $0x100000, s1;
	[bflag:$0x2] =	sbarrier.arrive $0xFFFF  }
0x24: {  	[sflag:s0] =	ssyncadd.tile.s32 @!p0 $0x1;
	_ =	shalt  }
.Lfunc_end2:
_tile_overlayer_lowered:
.L_overlay_start_2:
0x25: {  	(tag) =	ssettag $0x2  }
0x26: {  	s0 =	rddreg [dreg:$0x0];
	s2 =	stileid.u32  }
0x27: {  	s1 =	rddreg [dreg:$0x1];
	p0 =	sne.s32 s2, $0x0  }
0x28: {  	s3 =	rddreg [dreg:$0x2];
	[bflag:$0x3] =	sbarrier.arrive $0xFFFF;
	s2 =	simm.s32 @!p0 $0x1C02  }
0x29: {  	[timem:s3], [sflag:s2] =	dma.local @!p0 [hbm:s0], s1  }
0x2a: {  	s0 =	simm.s32 @!p0 $0x2  }
0x2b: {  	_ =	swait.ge @!p0 [sflag:s0], s1  }
0x2c: {  	s1 =	ssub.s32 @!p0 $0x0, s1;
	[sflag:s0] =	ssyncset.done @!p0 $0x0  }
0x2d: {  	[sflag:s0] =	ssyncadd.s32 @!p0 s1  }
0x2e: {  	[bflag:$0x3] =	sbarrier.arrive $0xFFFF  }
0x2f: {  	_ =	shalt  }

</sc_bundles>
